<compile_context>
chip_gen: v7x
topology: tpu7x:2x2x1
jax: 0.10.2.dev20260603
libtpu: 0.0.44.dev20260713+nightly
codegen_flags: <defaults>
</compile_context>

<pallas_src>
import functools

import jax
import jax.numpy as jnp
from jax import lax
from jax.experimental import pallas as pl
from jax.experimental.pallas import tpu as pltpu
from jax.experimental.pallas import tpu_sc as plsc

MODEL_DIM = 768
DIM_FF = 2048
NUM_EXPERTS = 8
TOP_K = 2

BT = 256
LANES = 16


def _gate_body(xf_ref, gw_ref, gb_ref, idx_ref, w_ref):
    x = xf_ref[...]
    logits = jnp.dot(x, gw_ref[...], preferred_element_type=jnp.float32)
    logits = logits + gb_ref[...]
    iota_e = jax.lax.broadcasted_iota(jnp.int32, logits.shape, 1)
    v1 = jnp.max(logits, axis=-1, keepdims=True)
    i1 = jnp.argmax(logits, axis=-1, keepdims=True).astype(jnp.int32)
    masked = jnp.where(iota_e == i1, -jnp.inf, logits)
    v2 = jnp.max(masked, axis=-1, keepdims=True)
    i2 = jnp.argmax(masked, axis=-1, keepdims=True).astype(jnp.int32)
    t = jnp.exp(v2 - v1)
    w_first = 1.0 / (1.0 + t)
    w_second = t / (1.0 + t)
    idx_ref[...] = jnp.concatenate([i1, i2], axis=1)
    w_ref[...] = jnp.concatenate([w_first, w_second], axis=1)


def _gating(xf, gate_W, gb2):
    T = xf.shape[0]
    return pl.pallas_call(
        _gate_body,
        out_shape=[
            jax.ShapeDtypeStruct((T, TOP_K), jnp.int32),
            jax.ShapeDtypeStruct((T, TOP_K), jnp.float32),
        ],
    )(xf, gate_W, gb2)


def _sc_dispatch(xf, ridx3, R):
    T = xf.shape[0]
    info = plsc.get_sparse_core_info()
    NC, NS = info.num_cores, info.num_subcores
    NW = NC * NS
    tpw = T // NW
    mesh = plsc.VectorSubcoreMesh(core_axis_name="c", subcore_axis_name="s")

    @functools.partial(
        pl.kernel, mesh=mesh,
        out_type=jax.ShapeDtypeStruct((R, MODEL_DIM), jnp.float32),
        scratch_types=[
            pltpu.VMEM((TOP_K, tpw), jnp.int32),
            pltpu.VMEM((tpw, MODEL_DIM), jnp.float32),
            pltpu.SemaphoreType.DMA,
            pltpu.SemaphoreType.DMA,
        ],
    )
    def dispatch_k(src_hbm, idx_hbm, out_hbm, idx_v, rows_v, lsem, ssem):
        wid = lax.axis_index("s") * NC + lax.axis_index("c")
        pltpu.sync_copy(idx_hbm.at[wid], idx_v)
        ld = pltpu.async_copy(
            src_hbm.at[pl.ds(wid * tpw, tpw)], rows_v, lsem)
        ld.wait()
        scs = []
        for k in range(TOP_K):
            scs.append(
                pltpu.async_copy(rows_v, out_hbm.at[idx_v.at[k]], ssem))
        for sc in scs:
            sc.wait()

    return dispatch_k(xf, ridx3)


def _sc_return_combine(yw, ridx3, T):
    info = plsc.get_sparse_core_info()
    NC, NS = info.num_cores, info.num_subcores
    NW = NC * NS
    tpw = T // NW
    n16 = MODEL_DIM // LANES
    mesh = plsc.VectorSubcoreMesh(core_axis_name="c", subcore_axis_name="s")

    @functools.partial(
        pl.kernel, mesh=mesh,
        out_type=jax.ShapeDtypeStruct((T, MODEL_DIM), jnp.float32),
        scratch_types=[
            pltpu.VMEM((TOP_K, tpw), jnp.int32),
            pltpu.VMEM((tpw, MODEL_DIM), jnp.float32),
            pltpu.VMEM((tpw, MODEL_DIM), jnp.float32),
            pltpu.SemaphoreType.DMA,
            pltpu.SemaphoreType.DMA,
            pltpu.SemaphoreType.DMA,
        ],
    )
    def ret_k(rows_hbm, idx_hbm, out_hbm, idx_v, buf0, buf1, g0, g1, ssem):
        wid = lax.axis_index("s") * NC + lax.axis_index("c")
        pltpu.sync_copy(idx_hbm.at[wid], idx_v)
        ga = pltpu.async_copy(rows_hbm.at[idx_v.at[0]], buf0, g0)
        gb = pltpu.async_copy(rows_hbm.at[idx_v.at[1]], buf1, g1)
        ga.wait()
        gb.wait()

        def add_row(r, _):
            for j in range(n16):
                sl = pl.ds(j * LANES, LANES)
                buf0[r, sl] = buf0[r, sl] + buf1[r, sl]
            return 0

        lax.fori_loop(0, tpw, add_row, 0)
        st = pltpu.async_copy(
            buf0, out_hbm.at[pl.ds(wid * tpw, tpw)], ssem)
        st.wait()

    return ret_k(yw, ridx3)


def _ffn_body(be_ref, bv_ref, xg_ref, w1_ref, b1_ref, w2_ref, b2_ref, wc_ref,
              out_ref):
    del be_ref

    @pl.when(bv_ref[pl.program_id(0)] == 1)
    def _():
        xb = xg_ref[...]
        h = (jnp.dot(xb, w1_ref[0], preferred_element_type=jnp.float32)
             + b1_ref[0])
        h = jnp.maximum(h, 0.0)
        y = (jnp.dot(h, w2_ref[0], preferred_element_type=jnp.float32)
             + b2_ref[0])
        out_ref[...] = y * wc_ref[...]


def _grouped_ffn(xg, blk_exp, blk_valid, W1, b1r, W2, b2r, wc, NB):
    R = xg.shape[0]
    grid_spec = pltpu.PrefetchScalarGridSpec(
        num_scalar_prefetch=2,
        grid=(NB,),
        in_specs=[
            pl.BlockSpec((BT, MODEL_DIM), lambda i, be, bv: (i, 0)),
            pl.BlockSpec((1, MODEL_DIM, DIM_FF),
                         lambda i, be, bv: (be[i], 0, 0)),
            pl.BlockSpec((1, 1, DIM_FF), lambda i, be, bv: (be[i], 0, 0)),
            pl.BlockSpec((1, DIM_FF, MODEL_DIM),
                         lambda i, be, bv: (be[i], 0, 0)),
            pl.BlockSpec((1, 1, MODEL_DIM), lambda i, be, bv: (be[i], 0, 0)),
            pl.BlockSpec((BT, 1), lambda i, be, bv: (i, 0)),
        ],
        out_specs=pl.BlockSpec((BT, MODEL_DIM), lambda i, be, bv: (i, 0)),
    )
    return pl.pallas_call(
        _ffn_body,
        grid_spec=grid_spec,
        out_shape=jax.ShapeDtypeStruct((R, MODEL_DIM), jnp.float32),
        compiler_params=pltpu.CompilerParams(
            dimension_semantics=("arbitrary",),
        ),
    )(blk_exp, blk_valid, xg, W1, b1r, W2, b2r, wc)


def kernel(x, gate_W, gate_b, W1, b1, W2, b2):
    batch, seq, _ = x.shape
    xf = x.reshape(-1, MODEL_DIM)
    T = xf.shape[0]
    P = T * TOP_K
    NB = P // BT + NUM_EXPERTS
    R = NB * BT
    NW = 32
    tpw = T // NW
    gb2 = gate_b.reshape(1, NUM_EXPERTS)
    b1r = b1.reshape(NUM_EXPERTS, 1, DIM_FF)
    b2r = b2.reshape(NUM_EXPERTS, 1, MODEL_DIM)

    top_idx, top_w = _gating(xf, gate_W, gb2)

    e_flat = top_idx.reshape(-1)
    eids = jnp.arange(NUM_EXPERTS, dtype=jnp.int32)
    oh = (e_flat[:, None] == eids[None, :]).astype(jnp.int32)
    csum = jnp.cumsum(oh, axis=0)
    counts = csum[-1]
    rank = jnp.sum(jnp.where(oh == 1, csum, 0), axis=1) - 1
    nb_e = (counts + BT - 1) // BT
    first_blk = jnp.cumsum(nb_e) - nb_e
    end_blk = first_blk + nb_e
    blk = jnp.arange(NB)
    total_blk = jnp.sum(nb_e)
    blk_valid = (blk < total_blk).astype(jnp.int32)
    blk_exp = jnp.sum(blk[:, None] >= end_blk[None, :], axis=1)
    last_exp = jnp.max(jnp.where(counts > 0, eids, 0))
    blk_exp = jnp.where(blk_valid == 1,
                        jnp.minimum(blk_exp, NUM_EXPERTS - 1),
                        last_exp).astype(jnp.int32)
    fb_p = jnp.sum(jnp.where(oh == 1, first_blk[None, :], 0), axis=1)
    r_of_p = (fb_p + rank // BT) * BT + rank % BT
    r_of_p = r_of_p.astype(jnp.int32)
    ridx3 = r_of_p.reshape(NW, tpw, TOP_K).transpose(0, 2, 1)
    row_w = jnp.zeros((R,), jnp.float32).at[r_of_p].set(top_w.reshape(-1))
    wc = row_w.reshape(R, 1)

    xg = _sc_dispatch(xf, ridx3, R)
    yw = _grouped_ffn(xg, blk_exp, blk_valid, W1, b1r, W2, b2r, wc, NB)
    out = _sc_return_combine(yw, ridx3, T)
    return out.reshape(batch, seq, MODEL_DIM)

# --- scband reference (transcript-rebuilt; emitter-appended) ---
"""Pipeline reference for scband-mo-efeed-forward-60773787238974 (READ-ONLY COPY).

The authoritative reference and input builder live on the scoring server;
editing this copy changes nothing except your own understanding.
"""

import jax, jax.numpy as jnp
import numpy as np

MODEL_DIM = 768
DIM_FF = 2048
NUM_EXPERTS = 8
TOP_K = 2


def setup_inputs(seed: int = 0) -> dict:
    key = jax.random.key(seed)
    ks = jax.random.split(key, 8)
    x = jax.random.normal(ks[0], (1, 2048, MODEL_DIM), dtype=jnp.float32)
    gate_W = jax.random.normal(ks[1], (MODEL_DIM, NUM_EXPERTS), dtype=jnp.float32) * 0.02
    gate_b = jnp.zeros((NUM_EXPERTS,), dtype=jnp.float32)
    W1 = jax.random.normal(ks[2], (NUM_EXPERTS, MODEL_DIM, DIM_FF), dtype=jnp.float32) * 0.02
    b1 = jnp.zeros((NUM_EXPERTS, DIM_FF), dtype=jnp.float32)
    W2 = jax.random.normal(ks[3], (NUM_EXPERTS, DIM_FF, MODEL_DIM), dtype=jnp.float32) * 0.02
    b2 = jnp.zeros((NUM_EXPERTS, MODEL_DIM), dtype=jnp.float32)
    return {"x": x, "gate_W": gate_W, "gate_b": gate_b, "W1": W1, "b1": b1, "W2": W2, "b2": b2}


def reference(x, gate_W, gate_b, W1, b1, W2, b2):
    batch_size, seq_len, _ = x.shape
    flat_x = x.reshape(-1, MODEL_DIM)
    T = flat_x.shape[0]
    # Gating
    gate_logits = flat_x @ gate_W + gate_b  # [T, E]
    top_k_vals, top_k_idx = jax.lax.top_k(gate_logits, TOP_K)  # [T, K]
    top_k_weights = jax.nn.softmax(top_k_vals, axis=-1)  # [T, K]
    # Combine weights -> dense [T, E] routing matrix
    combine = jnp.zeros((T, NUM_EXPERTS), dtype=flat_x.dtype)
    combine = combine.at[jnp.arange(T)[:, None], top_k_idx].add(top_k_weights)
    # Expert computation for all experts (masked by combine weights;
    # mathematically identical to per-token dispatch in the torch module)
    h = jnp.einsum('td,edf->tef', flat_x, W1) + b1[None, :, :]  # [T, E, F]
    h = jax.nn.relu(h)
    y = jnp.einsum('tef,efd->ted', h, W2) + b2[None, :, :]  # [T, E, D]
    output = jnp.einsum('te,ted->td', combine, y)  # [T, D]
    return output.reshape(batch_size, seq_len, MODEL_DIM)

if __name__ == "__main__":
    import jax
    _d = setup_inputs()
    print(jax.jit(kernel)(*tuple(_d.values())))

</pallas_src>

<mosaic_0001>
#map = affine_map<(d0, d1) -> (0, 0)>
#map1 = affine_map<(d0, d1) -> (0, 0, 0)>
module attributes {stable_mosaic.version = 14 : i64} {
  func.func @ret_k(%arg0: i32, %arg1: i32, %arg2: memref<6144x768xf32, #tpu.memory_space<hbm>>, %arg3: memref<32x2x64xi32, #tpu.memory_space<hbm>>, %arg4: memref<2048x768xf32, #tpu.memory_space<hbm>>, %arg5: memref<2x64xi32, #tpu.memory_space<vmem>>, %arg6: memref<64x768xf32, #tpu.memory_space<vmem>>, %arg7: memref<64x768xf32, #tpu.memory_space<vmem>>, %arg8: memref<!tpu.dma_semaphore, #tpu.memory_space<semaphore_mem>>, %arg9: memref<!tpu.dma_semaphore, #tpu.memory_space<semaphore_mem>>, %arg10: memref<!tpu.dma_semaphore, #tpu.memory_space<semaphore_mem>>) attributes {dimension_semantics = [#tpu.dimension_semantics<core_parallel>, #tpu.dimension_semantics<subcore_parallel>], iteration_bounds = array<i64: 2, 16>, scalar_prefetch = 0 : i64, scratch_operands = 6 : i64, tpu.core_type = #tpu.core_type<sc_vector_subcore>, window_params = [{transform_indices = #map}, {transform_indices = #map1}, {transform_indices = #map}]} {
    %mul3A = arith.constant 2 : i32
    %mul3A_0 = arith.muli %arg1, %mul3A : i32
    %add3A = arith.addi %mul3A_0, %arg0 : i32
    "tpu.region"() ({
      %run_scoped3A = tpu.sem_alloc : memref<!tpu.dma_semaphore, #tpu.memory_space<semaphore_mem>>
      %dma_start3A_43 = arith.constant 0 : i32
      %dma_start3A_44 = arith.constant 0 : i32
      %dma_start3A_45 = tpu.memref_slice %arg3[%add3A, %dma_start3A_43, %dma_start3A_44] : memref<32x2x64xi32, #tpu.memory_space<hbm>> -> memref<1x2x64xi32, #tpu.memory_space<hbm>>
      %dma_start3A_46 = tpu.memref_squeeze %dma_start3A_45 : memref<1x2x64xi32, #tpu.memory_space<hbm>> -> memref<2x64xi32, #tpu.memory_space<hbm>>
      %dma_start3A_47 = arith.constant 0 : i32
      %dma_start3A_48 = arith.constant 0 : i32
      %dma_start3A_49 = tpu.memref_slice %arg3[%add3A, %dma_start3A_47, %dma_start3A_48] : memref<32x2x64xi32, #tpu.memory_space<hbm>> -> memref<1x2x64xi32, #tpu.memory_space<hbm>>
      %dma_start3A_50 = tpu.memref_squeeze %dma_start3A_49 : memref<1x2x64xi32, #tpu.memory_space<hbm>> -> memref<2x64xi32, #tpu.memory_space<hbm>>
      tpu.enqueue_dma source(%dma_start3A_50 : memref<2x64xi32, #tpu.memory_space<hbm>>) target(%arg5 : memref<2x64xi32, #tpu.memory_space<vmem>>) target_semaphore(%run_scoped3A : memref<!tpu.dma_semaphore, #tpu.memory_space<semaphore_mem>>)
      %dma_wait3A_51 = arith.constant 0 : i32
      %dma_wait3A_52 = arith.constant 0 : i32
      %dma_wait3A_53 = tpu.memref_slice %arg3[%add3A, %dma_wait3A_51, %dma_wait3A_52] : memref<32x2x64xi32, #tpu.memory_space<hbm>> -> memref<1x2x64xi32, #tpu.memory_space<hbm>>
      %dma_wait3A_54 = tpu.memref_squeeze %dma_wait3A_53 : memref<1x2x64xi32, #tpu.memory_space<hbm>> -> memref<2x64xi32, #tpu.memory_space<hbm>>
      %dma_wait3A_55 = arith.constant 0 : i32
      %dma_wait3A_56 = arith.constant 0 : i32
      %dma_wait3A_57 = tpu.memref_slice %arg3[%add3A, %dma_wait3A_55, %dma_wait3A_56] : memref<32x2x64xi32, #tpu.memory_space<hbm>> -> memref<1x2x64xi32, #tpu.memory_space<hbm>>
      %dma_wait3A_58 = tpu.memref_squeeze %dma_wait3A_57 : memref<1x2x64xi32, #tpu.memory_space<hbm>> -> memref<2x64xi32, #tpu.memory_space<hbm>>
      tpu.wait_dma2 semaphore(%run_scoped3A : memref<!tpu.dma_semaphore, #tpu.memory_space<semaphore_mem>>) src(%dma_wait3A_58 : memref<2x64xi32, #tpu.memory_space<hbm>>) dst(%arg5 : memref<2x64xi32, #tpu.memory_space<vmem>>)
      tpu.yield
    }) : () -> ()
    %dma_start3A = arith.constant 0 : i32
    %dma_start3A_1 = arith.constant 0 : i32
    %dma_start3A_2 = tpu.memref_slice %arg5[%dma_start3A, %dma_start3A_1] : memref<2x64xi32, #tpu.memory_space<vmem>> -> memref<1x64xi32, #tpu.memory_space<vmem>>
    %dma_start3A_3 = tpu.memref_squeeze %dma_start3A_2 : memref<1x64xi32, #tpu.memory_space<vmem>> -> memref<64xi32, #tpu.memory_space<vmem>>
    %dma_start3A_4 = arith.constant 0 : i32
    %dma_start3A_5 = arith.constant 0 : i32
    %dma_start3A_6 = tpu.memref_slice %arg2[%dma_start3A_4, %dma_start3A_5] : memref<6144x768xf32, #tpu.memory_space<hbm>> -> memref<6144x768xf32, #tpu.memory_space<hbm>>
    tpu.enqueue_indirect_dma source(%dma_start3A_6 : memref<6144x768xf32, #tpu.memory_space<hbm>>) target(%arg6 : memref<64x768xf32, #tpu.memory_space<vmem>>) offsets(%dma_start3A_3 : memref<64xi32, #tpu.memory_space<vmem>>) semaphore(%arg8 : memref<!tpu.dma_semaphore, #tpu.memory_space<semaphore_mem>>)
    %dma_start3A_7 = arith.constant 1 : i32
    %dma_start3A_8 = arith.constant 0 : i32
    %dma_start3A_9 = tpu.memref_slice %arg5[%dma_start3A_7, %dma_start3A_8] : memref<2x64xi32, #tpu.memory_space<vmem>> -> memref<1x64xi32, #tpu.memory_space<vmem>>
    %dma_start3A_10 = tpu.memref_squeeze %dma_start3A_9 : memref<1x64xi32, #tpu.memory_space<vmem>> -> memref<64xi32, #tpu.memory_space<vmem>>
    %dma_start3A_11 = arith.constant 0 : i32
    %dma_start3A_12 = arith.constant 0 : i32
    %dma_start3A_13 = tpu.memref_slice %arg2[%dma_start3A_11, %dma_start3A_12] : memref<6144x768xf32, #tpu.memory_space<hbm>> -> memref<6144x768xf32, #tpu.memory_space<hbm>>
    tpu.enqueue_indirect_dma source(%dma_start3A_13 : memref<6144x768xf32, #tpu.memory_space<hbm>>) target(%arg7 : memref<64x768xf32, #tpu.memory_space<vmem>>) offsets(%dma_start3A_10 : memref<64xi32, #tpu.memory_space<vmem>>) semaphore(%arg9 : memref<!tpu.dma_semaphore, #tpu.memory_space<semaphore_mem>>)
    %dma_wait3A = arith.constant 0 : i32
    %dma_wait3A_14 = arith.constant 0 : i32
    %dma_wait3A_15 = tpu.memref_slice %arg5[%dma_wait3A, %dma_wait3A_14] : memref<2x64xi32, #tpu.memory_space<vmem>> -> memref<1x64xi32, #tpu.memory_space<vmem>>
    %dma_wait3A_16 = tpu.memref_squeeze %dma_wait3A_15 : memref<1x64xi32, #tpu.memory_space<vmem>> -> memref<64xi32, #tpu.memory_space<vmem>>
    %dma_wait3A_17 = arith.constant 0 : i32
    %dma_wait3A_18 = arith.constant 0 : i32
    %dma_wait3A_19 = tpu.memref_slice %arg2[%dma_wait3A_17, %dma_wait3A_18] : memref<6144x768xf32, #tpu.memory_space<hbm>> -> memref<6144x768xf32, #tpu.memory_space<hbm>>
    tpu.wait_indirect_dma semaphore(%arg8 : memref<!tpu.dma_semaphore, #tpu.memory_space<semaphore_mem>>) src(%dma_wait3A_19 : memref<6144x768xf32, #tpu.memory_space<hbm>>) dst(%arg6 : memref<64x768xf32, #tpu.memory_space<vmem>>)
    %dma_wait3A_20 = arith.constant 1 : i32
    %dma_wait3A_21 = arith.constant 0 : i32
    %dma_wait3A_22 = tpu.memref_slice %arg5[%dma_wait3A_20, %dma_wait3A_21] : memref<2x64xi32, #tpu.memory_space<vmem>> -> memref<1x64xi32, #tpu.memory_space<vmem>>
    %dma_wait3A_23 = tpu.memref_squeeze %dma_wait3A_22 : memref<1x64xi32, #tpu.memory_space<vmem>> -> memref<64xi32, #tpu.memory_space<vmem>>
    %dma_wait3A_24 = arith.constant 0 : i32
    %dma_wait3A_25 = arith.constant 0 : i32
    %dma_wait3A_26 = tpu.memref_slice %arg2[%dma_wait3A_24, %dma_wait3A_25] : memref<6144x768xf32, #tpu.memory_space<hbm>> -> memref<6144x768xf32, #tpu.memory_space<hbm>>
    tpu.wait_indirect_dma semaphore(%arg9 : memref<!tpu.dma_semaphore, #tpu.memory_space<semaphore_mem>>) src(%dma_wait3A_26 : memref<6144x768xf32, #tpu.memory_space<hbm>>) dst(%arg7 : memref<64x768xf32, #tpu.memory_space<vmem>>)
    %scan3A = arith.constant 0 : i32
    %scan3A_27 = arith.constant 0 : i32
    %scan3A_28 = arith.constant 64 : i32
    %scan3A_29 = arith.addi %scan3A_27, %scan3A_28 : i32
    %scan3A_30 = arith.constant 1 : i32
    %scan3A_31 = scf.for %scan3A_43 = %scan3A_27 to %scan3A_29 step %scan3A_30 iter_args(%scan3A_44 = %scan3A) -> (i32)  : i32 {
      %get3A = arith.index_cast %scan3A_43 : i32 to index
      %get3A_45 = arith.constant 0 : index
      %get3A_46 = tpu.vector_load %arg6[%get3A, %get3A_45] {strides = array<i32>} : memref<64x768xf32, #tpu.memory_space<vmem>>, vector<1x16xf32>,
      %get3A_47 = vector.shape_cast %get3A_46 : vector<1x16xf32> to vector<16xf32>
      %get3A_48 = arith.index_cast %scan3A_43 : i32 to index
      %get3A_49 = arith.constant 0 : index
      %get3A_50 = tpu.vector_load %arg7[%get3A_48, %get3A_49] {strides = array<i32>} : memref<64x768xf32, #tpu.memory_space<vmem>>, vector<1x16xf32>,
      %get3A_51 = vector.shape_cast %get3A_50 : vector<1x16xf32> to vector<16xf32>
      %add3A_52 = arith.addf %get3A_47, %get3A_51 : vector<16xf32>
      %swap3A = arith.index_cast %scan3A_43 : i32 to index
      %swap3A_53 = arith.constant 0 : index
      %swap3A_54 = tpu.vector_load %arg6[%swap3A, %swap3A_53] {strides = array<i32>} : memref<64x768xf32, #tpu.memory_space<vmem>>, vector<1x16xf32>,
      %swap3A_55 = vector.shape_cast %swap3A_54 : vector<1x16xf32> to vector<16xf32>
      %swap3A_56 = vector.shape_cast %add3A_52 : vector<16xf32> to vector<1x16xf32>
      tpu.vector_store %arg6[%swap3A, %swap3A_53], %swap3A_56 {strides = array<i32>} : memref<64x768xf32, #tpu.memory_space<vmem>>, vector<1x16xf32>,
      %get3A_57 = arith.index_cast %scan3A_43 : i32 to index
      %get3A_58 = arith.constant 16 : index
      %get3A_59 = tpu.vector_load %arg6[%get3A_57, %get3A_58] {strides = array<i32>} : memref<64x768xf32, #tpu.memory_space<vmem>>, vector<1x16xf32>,
      %get3A_60 = vector.shape_cast %get3A_59 : vector<1x16xf32> to vector<16xf32>
      %get3A_61 = arith.index_cast %scan3A_43 : i32 to index
      %get3A_62 = arith.constant 16 : index
      %get3A_63 = tpu.vector_load %arg7[%get3A_61, %get3A_62] {strides = array<i32>} : memref<64x768xf32, #tpu.memory_space<vmem>>, vector<1x16xf32>,
      %get3A_64 = vector.shape_cast %get3A_63 : vector<1x16xf32> to vector<16xf32>
      %add3A_65 = arith.addf %get3A_60, %get3A_64 : vector<16xf32>
      %swap3A_66 = arith.index_cast %scan3A_43 : i32 to index
      %swap3A_67 = arith.constant 16 : index
      %swap3A_68 = tpu.vector_load %arg6[%swap3A_66, %swap3A_67] {strides = array<i32>} : memref<64x768xf32, #tpu.memory_space<vmem>>, vector<1x16xf32>,
      %swap3A_69 = vector.shape_cast %swap3A_68 : vector<1x16xf32> to vector<16xf32>
      %swap3A_70 = vector.shape_cast %add3A_65 : vector<16xf32> to vector<1x16xf32>
      tpu.vector_store %arg6[%swap3A_66, %swap3A_67], %swap3A_70 {strides = array<i32>} : memref<64x768xf32, #tpu.memory_space<vmem>>, vector<1x16xf32>,
      %get3A_71 = arith.index_cast %scan3A_43 : i32 to index
      %get3A_72 = arith.constant 32 : index
      %get3A_73 = tpu.vector_load %arg6[%get3A_71, %get3A_72] {strides = array<i32>} : memref<64x768xf32, #tpu.memory_space<vmem>>, vector<1x16xf32>,
      %get3A_74 = vector.shape_cast %get3A_73 : vector<1x16xf32> to vector<16xf32>
      %get3A_75 = arith.index_cast %scan3A_43 : i32 to index
      %get3A_76 = arith.constant 32 : index
      %get3A_77 = tpu.vector_load %arg7[%get3A_75, %get3A_76] {strides = array<i32>} : memref<64x768xf32, #tpu.memory_space<vmem>>, vector<1x16xf32>,
      %get3A_78 = vector.shape_cast %get3A_77 : vector<1x16xf32> to vector<16xf32>
      %add3A_79 = arith.addf %get3A_74, %get3A_78 : vector<16xf32>
      %swap3A_80 = arith.index_cast %scan3A_43 : i32 to index
      %swap3A_81 = arith.constant 32 : index
      %swap3A_82 = tpu.vector_load %arg6[%swap3A_80, %swap3A_81] {strides = array<i32>} : memref<64x768xf32, #tpu.memory_space<vmem>>, vector<1x16xf32>,
      %swap3A_83 = vector.shape_cast %swap3A_82 : vector<1x16xf32> to vector<16xf32>
      %swap3A_84 = vector.shape_cast %add3A_79 : vector<16xf32> to vector<1x16xf32>
      tpu.vector_store %arg6[%swap3A_80, %swap3A_81], %swap3A_84 {strides = array<i32>} : memref<64x768xf32, #tpu.memory_space<vmem>>, vector<1x16xf32>,
      %get3A_85 = arith.index_cast %scan3A_43 : i32 to index
      %get3A_86 = arith.constant 48 : index
      %get3A_87 = tpu.vector_load %arg6[%get3A_85, %get3A_86] {strides = array<i32>} : memref<64x768xf32, #tpu.memory_space<vmem>>, vector<1x16xf32>,
      %get3A_88 = vector.shape_cast %get3A_87 : vector<1x16xf32> to vector<16xf32>
      %get3A_89 = arith.index_cast %scan3A_43 : i32 to index
      %get3A_90 = arith.constant 48 : index
      %get3A_91 = tpu.vector_load %arg7[%get3A_89, %get3A_90] {strides = array<i32>} : memref<64x768xf32, #tpu.memory_space<vmem>>, vector<1x16xf32>,
      %get3A_92 = vector.shape_cast %get3A_91 : vector<1x16xf32> to vector<16xf32>
      %add3A_93 = arith.addf %get3A_88, %get3A_92 : vector<16xf32>
      %swap3A_94 = arith.index_cast %scan3A_43 : i32 to index
      %swap3A_95 = arith.constant 48 : index
      %swap3A_96 = tpu.vector_load %arg6[%swap3A_94, %swap3A_95] {strides = array<i32>} : memref<64x768xf32, #tpu.memory_space<vmem>>, vector<1x16xf32>,
      %swap3A_97 = vector.shape_cast %swap3A_96 : vector<1x16xf32> to vector<16xf32>
      %swap3A_98 = vector.shape_cast %add3A_93 : vector<16xf32> to vector<1x16xf32>
      tpu.vector_store %arg6[%swap3A_94, %swap3A_95], %swap3A_98 {strides = array<i32>} : memref<64x768xf32, #tpu.memory_space<vmem>>, vector<1x16xf32>,
      %get3A_99 = arith.index_cast %scan3A_43 : i32 to index
      %get3A_100 = arith.constant 64 : index
      %get3A_101 = tpu.vector_load %arg6[%get3A_99, %get3A_100] {strides = array<i32>} : memref<64x768xf32, #tpu.memory_space<vmem>>, vector<1x16xf32>,
      %get3A_102 = vector.shape_cast %get3A_101 : vector<1x16xf32> to vector<16xf32>
      %get3A_103 = arith.index_cast %scan3A_43 : i32 to index
      %get3A_104 = arith.constant 64 : index
      %get3A_105 = tpu.vector_load %arg7[%get3A_103, %get3A_104] {strides = array<i32>} : memref<64x768xf32, #tpu.memory_space<vmem>>, vector<1x16xf32>,
      %get3A_106 = vector.shape_cast %get3A_105 : vector<1x16xf32> to vector<16xf32>
      %add3A_107 = arith.addf %get3A_102, %get3A_106 : vector<16xf32>
      %swap3A_108 = arith.index_cast %scan3A_43 : i32 to index
      %swap3A_109 = arith.constant 64 : index
      %swap3A_110 = tpu.vector_load %arg6[%swap3A_108, %swap3A_109] {strides = array<i32>} : memref<64x768xf32, #tpu.memory_space<vmem>>, vector<1x16xf32>,
      %swap3A_111 = vector.shape_cast %swap3A_110 : vector<1x16xf32> to vector<16xf32>
      %swap3A_112 = vector.shape_cast %add3A_107 : vector<16xf32> to vector<1x16xf32>
      tpu.vector_store %arg6[%swap3A_108, %swap3A_109], %swap3A_112 {strides = array<i32>} : memref<64x768xf32, #tpu.memory_space<vmem>>, vector<1x16xf32>,
      %get3A_113 = arith.index_cast %scan3A_43 : i32 to index
      %get3A_114 = arith.constant 80 : index
      %get3A_115 = tpu.vector_load %arg6[%get3A_113, %get3A_114] {strides = array<i32>} : memref<64x768xf32, #tpu.memory_space<vmem>>, vector<1x16xf32>,
      %get3A_116 = vector.shape_cast %get3A_115 : vector<1x16xf32> to vector<16xf32>
      %get3A_117 = arith.index_cast %scan3A_43 : i32 to index
      %get3A_118 = arith.constant 80 : index
      %get3A_119 = tpu.vector_load %arg7[%get3A_117, %get3A_118] {strides = array<i32>} : memref<64x768xf32, #tpu.memory_space<vmem>>, vector<1x16xf32>,
      %get3A_120 = vector.shape_cast %get3A_119 : vector<1x16xf32> to vector<16xf32>
      %add3A_121 = arith.addf %get3A_116, %get3A_120 : vector<16xf32>
      %swap3A_122 = arith.index_cast %scan3A_43 : i32 to index
      %swap3A_123 = arith.constant 80 : index
      %swap3A_124 = tpu.vector_load %arg6[%swap3A_122, %swap3A_123] {strides = array<i32>} : memref<64x768xf32, #tpu.memory_space<vmem>>, vector<1x16xf32>,
      %swap3A_125 = vector.shape_cast %swap3A_124 : vector<1x16xf32> to vector<16xf32>
      %swap3A_126 = vector.shape_cast %add3A_121 : vector<16xf32> to vector<1x16xf32>
      tpu.vector_store %arg6[%swap3A_122, %swap3A_123], %swap3A_126 {strides = array<i32>} : memref<64x768xf32, #tpu.memory_space<vmem>>, vector<1x16xf32>,
      %get3A_127 = arith.index_cast %scan3A_43 : i32 to index
      %get3A_128 = arith.constant 96 : index
      %get3A_129 = tpu.vector_load %arg6[%get3A_127, %get3A_128] {strides = array<i32>} : memref<64x768xf32, #tpu.memory_space<vmem>>, vector<1x16xf32>,
      %get3A_130 = vector.shape_cast %get3A_129 : vector<1x16xf32> to vector<16xf32>
      %get3A_131 = arith.index_cast %scan3A_43 : i32 to index
      %get3A_132 = arith.constant 96 : index
      %get3A_133 = tpu.vector_load %arg7[%get3A_131, %get3A_132] {strides = array<i32>} : memref<64x768xf32, #tpu.memory_space<vmem>>, vector<1x16xf32>,
      %get3A_134 = vector.shape_cast %get3A_133 : vector<1x16xf32> to vector<16xf32>
      %add3A_135 = arith.addf %get3A_130, %get3A_134 : vector<16xf32>
      %swap3A_136 = arith.index_cast %scan3A_43 : i32 to index
      %swap3A_137 = arith.constant 96 : index
      %swap3A_138 = tpu.vector_load %arg6[%swap3A_136, %swap3A_137] {strides = array<i32>} : memref<64x768xf32, #tpu.memory_space<vmem>>, vector<1x16xf32>,
      %swap3A_139 = vector.shape_cast %swap3A_138 : vector<1x16xf32> to vector<16xf32>
      %swap3A_140 = vector.shape_cast %add3A_135 : vector<16xf32> to vector<1x16xf32>
      tpu.vector_store %arg6[%swap3A_136, %swap3A_137], %swap3A_140 {strides = array<i32>} : memref<64x768xf32, #tpu.memory_space<vmem>>, vector<1x16xf32>,
      %get3A_141 = arith.index_cast %scan3A_43 : i32 to index
      %get3A_142 = arith.constant 112 : index
      %get3A_143 = tpu.vector_load %arg6[%get3A_141, %get3A_142] {strides = array<i32>} : memref<64x768xf32, #tpu.memory_space<vmem>>, vector<1x16xf32>,
      %get3A_144 = vector.shape_cast %get3A_143 : vector<1x16xf32> to vector<16xf32>
      %get3A_145 = arith.index_cast %scan3A_43 : i32 to index
      %get3A_146 = arith.constant 112 : index
      %get3A_147 = tpu.vector_load %arg7[%get3A_145, %get3A_146] {strides = array<i32>} : memref<64x768xf32, #tpu.memory_space<vmem>>, vector<1x16xf32>,
      %get3A_148 = vector.shape_cast %get3A_147 : vector<1x16xf32> to vector<16xf32>
      %add3A_149 = arith.addf %get3A_144, %get3A_148 : vector<16xf32>
      %swap3A_150 = arith.index_cast %scan3A_43 : i32 to index
      %swap3A_151 = arith.constant 112 : index
      %swap3A_152 = tpu.vector_load %arg6[%swap3A_150, %swap3A_151] {strides = array<i32>} : memref<64x768xf32, #tpu.memory_space<vmem>>, vector<1x16xf32>,
      %swap3A_153 = vector.shape_cast %swap3A_152 : vector<1x16xf32> to vector<16xf32>
      %swap3A_154 = vector.shape_cast %add3A_149 : vector<16xf32> to vector<1x16xf32>
      tpu.vector_store %arg6[%swap3A_150, %swap3A_151], %swap3A_154 {strides = array<i32>} : memref<64x768xf32, #tpu.memory_space<vmem>>, vector<1x16xf32>,
      %get3A_155 = arith.index_cast %scan3A_43 : i32 to index
      %get3A_156 = arith.constant 128 : index
      %get3A_157 = tpu.vector_load %arg6[%get3A_155, %get3A_156] {strides = array<i32>} : memref<64x768xf32, #tpu.memory_space<vmem>>, vector<1x16xf32>,
      %get3A_158 = vector.shape_cast %get3A_157 : vector<1x16xf32> to vector<16xf32>
      %get3A_159 = arith.index_cast %scan3A_43 : i32 to index
      %get3A_160 = arith.constant 128 : index
      %get3A_161 = tpu.vector_load %arg7[%get3A_159, %get3A_160] {strides = array<i32>} : memref<64x768xf32, #tpu.memory_space<vmem>>, vector<1x16xf32>,
      %get3A_162 = vector.shape_cast %get3A_161 : vector<1x16xf32> to vector<16xf32>
      %add3A_163 = arith.addf %get3A_158, %get3A_162 : vector<16xf32>
      %swap3A_164 = arith.index_cast %scan3A_43 : i32 to index
      %swap3A_165 = arith.constant 128 : index
      %swap3A_166 = tpu.vector_load %arg6[%swap3A_164, %swap3A_165] {strides = array<i32>} : memref<64x768xf32, #tpu.memory_space<vmem>>, vector<1x16xf32>,
      %swap3A_167 = vector.shape_cast %swap3A_166 : vector<1x16xf32> to vector<16xf32>
      %swap3A_168 = vector.shape_cast %add3A_163 : vector<16xf32> to vector<1x16xf32>
      tpu.vector_store %arg6[%swap3A_164, %swap3A_165], %swap3A_168 {strides = array<i32>} : memref<64x768xf32, #tpu.memory_space<vmem>>, vector<1x16xf32>,
      %get3A_169 = arith.index_cast %scan3A_43 : i32 to index
      %get3A_170 = arith.constant 144 : index
      %get3A_171 = tpu.vector_load %arg6[%get3A_169, %get3A_170] {strides = array<i32>} : memref<64x768xf32, #tpu.memory_space<vmem>>, vector<1x16xf32>,
      %get3A_172 = vector.shape_cast %get3A_171 : vector<1x16xf32> to vector<16xf32>
      %get3A_173 = arith.index_cast %scan3A_43 : i32 to index
      %get3A_174 = arith.constant 144 : index
      %get3A_175 = tpu.vector_load %arg7[%get3A_173, %get3A_174] {strides = array<i32>} : memref<64x768xf32, #tpu.memory_space<vmem>>, vector<1x16xf32>,
      %get3A_176 = vector.shape_cast %get3A_175 : vector<1x16xf32> to vector<16xf32>
      %add3A_177 = arith.addf %get3A_172, %get3A_176 : vector<16xf32>
      %swap3A_178 = arith.index_cast %scan3A_43 : i32 to index
      %swap3A_179 = arith.constant 144 : index
      %swap3A_180 = tpu.vector_load %arg6[%swap3A_178, %swap3A_179] {strides = array<i32>} : memref<64x768xf32, #tpu.memory_space<vmem>>, vector<1x16xf32>,
      %swap3A_181 = vector.shape_cast %swap3A_180 : vector<1x16xf32> to vector<16xf32>
      %swap3A_182 = vector.shape_cast %add3A_177 : vector<16xf32> to vector<1x16xf32>
      tpu.vector_store %arg6[%swap3A_178, %swap3A_179], %swap3A_182 {strides = array<i32>} : memref<64x768xf32, #tpu.memory_space<vmem>>, vector<1x16xf32>,
      %get3A_183 = arith.index_cast %scan3A_43 : i32 to index
      %get3A_184 = arith.constant 160 : index
      %get3A_185 = tpu.vector_load %arg6[%get3A_183, %get3A_184] {strides = array<i32>} : memref<64x768xf32, #tpu.memory_space<vmem>>, vector<1x16xf32>,
      %get3A_186 = vector.shape_cast %get3A_185 : vector<1x16xf32> to vector<16xf32>
      %get3A_187 = arith.index_cast %scan3A_43 : i32 to index
      %get3A_188 = arith.constant 160 : index
      %get3A_189 = tpu.vector_load %arg7[%get3A_187, %get3A_188] {strides = array<i32>} : memref<64x768xf32, #tpu.memory_space<vmem>>, vector<1x16xf32>,
      %get3A_190 = vector.shape_cast %get3A_189 : vector<1x16xf32> to vector<16xf32>
      %add3A_191 = arith.addf %get3A_186, %get3A_190 : vector<16xf32>
      %swap3A_192 = arith.index_cast %scan3A_43 : i32 to index
      %swap3A_193 = arith.constant 160 : index
      %swap3A_194 = tpu.vector_load %arg6[%swap3A_192, %swap3A_193] {strides = array<i32>} : memref<64x768xf32, #tpu.memory_space<vmem>>, vector<1x16xf32>,
      %swap3A_195 = vector.shape_cast %swap3A_194 : vector<1x16xf32> to vector<16xf32>
      %swap3A_196 = vector.shape_cast %add3A_191 : vector<16xf32> to vector<1x16xf32>
      tpu.vector_store %arg6[%swap3A_192, %swap3A_193], %swap3A_196 {strides = array<i32>} : memref<64x768xf32, #tpu.memory_space<vmem>>, vector<1x16xf32>,
      %get3A_197 = arith.index_cast %scan3A_43 : i32 to index
      %get3A_198 = arith.constant 176 : index
      %get3A_199 = tpu.vector_load %arg6[%get3A_197, %get3A_198] {strides = array<i32>} : memref<64x768xf32, #tpu.memory_space<vmem>>, vector<1x16xf32>,
      %get3A_200 = vector.shape_cast %get3A_199 : vector<1x16xf32> to vector<16xf32>
      %get3A_201 = arith.index_cast %scan3A_43 : i32 to index
      %get3A_202 = arith.constant 176 : index
      %get3A_203 = tpu.vector_load %arg7[%get3A_201, %get3A_202] {strides = array<i32>} : memref<64x768xf32, #tpu.memory_space<vmem>>, vector<1x16xf32>,
      %get3A_204 = vector.shape_cast %get3A_203 : vector<1x16xf32> to vector<16xf32>
      %add3A_205 = arith.addf %get3A_200, %get3A_204 : vector<16xf32>
      %swap3A_206 = arith.index_cast %scan3A_43 : i32 to index
      %swap3A_207 = arith.constant 176 : index
      %swap3A_208 = tpu.vector_load %arg6[%swap3A_206, %swap3A_207] {strides = array<i32>} : memref<64x768xf32, #tpu.memory_space<vmem>>, vector<1x16xf32>,
      %swap3A_209 = vector.shape_cast %swap3A_208 : vector<1x16xf32> to vector<16xf32>
      %swap3A_210 = vector.shape_cast %add3A_205 : vector<16xf32> to vector<1x16xf32>
      tpu.vector_store %arg6[%swap3A_206, %swap3A_207], %swap3A_210 {strides = array<i32>} : memref<64x768xf32, #tpu.memory_space<vmem>>, vector<1x16xf32>,
      %get3A_211 = arith.index_cast %scan3A_43 : i32 to index
      %get3A_212 = arith.constant 192 : index
      %get3A_213 = tpu.vector_load %arg6[%get3A_211, %get3A_212] {strides = array<i32>} : memref<64x768xf32, #tpu.memory_space<vmem>>, vector<1x16xf32>,
      %get3A_214 = vector.shape_cast %get3A_213 : vector<1x16xf32> to vector<16xf32>
      %get3A_215 = arith.index_cast %scan3A_43 : i32 to index
      %get3A_216 = arith.constant 192 : index
      %get3A_217 = tpu.vector_load %arg7[%get3A_215, %get3A_216] {strides = array<i32>} : memref<64x768xf32, #tpu.memory_space<vmem>>, vector<1x16xf32>,
      %get3A_218 = vector.shape_cast %get3A_217 : vector<1x16xf32> to vector<16xf32>
      %add3A_219 = arith.addf %get3A_214, %get3A_218 : vector<16xf32>
      %swap3A_220 = arith.index_cast %scan3A_43 : i32 to index
      %swap3A_221 = arith.constant 192 : index
      %swap3A_222 = tpu.vector_load %arg6[%swap3A_220, %swap3A_221] {strides = array<i32>} : memref<64x768xf32, #tpu.memory_space<vmem>>, vector<1x16xf32>,
      %swap3A_223 = vector.shape_cast %swap3A_222 : vector<1x16xf32> to vector<16xf32>
      %swap3A_224 = vector.shape_cast %add3A_219 : vector<16xf32> to vector<1x16xf32>
      tpu.vector_store %arg6[%swap3A_220, %swap3A_221], %swap3A_224 {strides = array<i32>} : memref<64x768xf32, #tpu.memory_space<vmem>>, vector<1x16xf32>,
      %get3A_225 = arith.index_cast %scan3A_43 : i32 to index
      %get3A_226 = arith.constant 208 : index
      %get3A_227 = tpu.vector_load %arg6[%get3A_225, %get3A_226] {strides = array<i32>} : memref<64x768xf32, #tpu.memory_space<vmem>>, vector<1x16xf32>,
      %get3A_228 = vector.shape_cast %get3A_227 : vector<1x16xf32> to vector<16xf32>
      %get3A_229 = arith.index_cast %scan3A_43 : i32 to index
      %get3A_230 = arith.constant 208 : index
      %get3A_231 = tpu.vector_load %arg7[%get3A_229, %get3A_230] {strides = array<i32>} : memref<64x768xf32, #tpu.memory_space<vmem>>, vector<1x16xf32>,
      %get3A_232 = vector.shape_cast %get3A_231 : vector<1x16xf32> to vector<16xf32>
      %add3A_233 = arith.addf %get3A_228, %get3A_232 : vector<16xf32>
      %swap3A_234 = arith.index_cast %scan3A_43 : i32 to index
      %swap3A_235 = arith.constant 208 : index
      %swap3A_236 = tpu.vector_load %arg6[%swap3A_234, %swap3A_235] {strides = array<i32>} : memref<64x768xf32, #tpu.memory_space<vmem>>, vector<1x16xf32>,
      %swap3A_237 = vector.shape_cast %swap3A_236 : vector<1x16xf32> to vector<16xf32>
      %swap3A_238 = vector.shape_cast %add3A_233 : vector<16xf32> to vector<1x16xf32>
      tpu.vector_store %arg6[%swap3A_234, %swap3A_235], %swap3A_238 {strides = array<i32>} : memref<64x768xf32, #tpu.memory_space<vmem>>, vector<1x16xf32>,
      %get3A_239 = arith.index_cast %scan3A_43 : i32 to index
      %get3A_240 = arith.constant 224 : index
      %get3A_241 = tpu.vector_load %arg6[%get3A_239, %get3A_240] {strides = array<i32>} : memref<64x768xf32, #tpu.memory_space<vmem>>, vector<1x16xf32>,
      %get3A_242 = vector.shape_cast %get3A_241 : vector<1x16xf32> to vector<16xf32>
      %get3A_243 = arith.index_cast %scan3A_43 : i32 to index
      %get3A_244 = arith.constant 224 : index
      %get3A_245 = tpu.vector_load %arg7[%get3A_243, %get3A_244] {strides = array<i32>} : memref<64x768xf32, #tpu.memory_space<vmem>>, vector<1x16xf32>,
      %get3A_246 = vector.shape_cast %get3A_245 : vector<1x16xf32> to vector<16xf32>
      %add3A_247 = arith.addf %get3A_242, %get3A_246 : vector<16xf32>
      %swap3A_248 = arith.index_cast %scan3A_43 : i32 to index
      %swap3A_249 = arith.constant 224 : index
      %swap3A_250 = tpu.vector_load %arg6[%swap3A_248, %swap3A_249] {strides = array<i32>} : memref<64x768xf32, #tpu.memory_space<vmem>>, vector<1x16xf32>,
      %swap3A_251 = vector.shape_cast %swap3A_250 : vector<1x16xf32> to vector<16xf32>
      %swap3A_252 = vector.shape_cast %add3A_247 : vector<16xf32> to vector<1x16xf32>
      tpu.vector_store %arg6[%swap3A_248, %swap3A_249], %swap3A_252 {strides = array<i32>} : memref<64x768xf32, #tpu.memory_space<vmem>>, vector<1x16xf32>,
      %get3A_253 = arith.index_cast %scan3A_43 : i32 to index
      %get3A_254 = arith.constant 240 : index
      %get3A_255 = tpu.vector_load %arg6[%get3A_253, %get3A_254] {strides = array<i32>} : memref<64x768xf32, #tpu.memory_space<vmem>>, vector<1x16xf32>,
      %get3A_256 = vector.shape_cast %get3A_255 : vector<1x16xf32> to vector<16xf32>
      %get3A_257 = arith.index_cast %scan3A_43 : i32 to index
      %get3A_258 = arith.constant 240 : index
      %get3A_259 = tpu.vector_load %arg7[%get3A_257, %get3A_258] {strides = array<i32>} : memref<64x768xf32, #tpu.memory_space<vmem>>, vector<1x16xf32>,
      %get3A_260 = vector.shape_cast %get3A_259 : vector<1x16xf32> to vector<16xf32>
      %add3A_261 = arith.addf %get3A_256, %get3A_260 : vector<16xf32>
      %swap3A_262 = arith.index_cast %scan3A_43 : i32 to index
      %swap3A_263 = arith.constant 240 : index
      %swap3A_264 = tpu.vector_load %arg6[%swap3A_262, %swap3A_263] {strides = array<i32>} : memref<64x768xf32, #tpu.memory_space<vmem>>, vector<1x16xf32>,
      %swap3A_265 = vector.shape_cast %swap3A_264 : vector<1x16xf32> to vector<16xf32>
      %swap3A_266 = vector.shape_cast %add3A_261 : vector<16xf32> to vector<1x16xf32>
      tpu.vector_store %arg6[%swap3A_262, %swap3A_263], %swap3A_266 {strides = array<i32>} : memref<64x768xf32, #tpu.memory_space<vmem>>, vector<1x16xf32>,
      %get3A_267 = arith.index_cast %scan3A_43 : i32 to index
      %get3A_268 = arith.constant 256 : index
      %get3A_269 = tpu.vector_load %arg6[%get3A_267, %get3A_268] {strides = array<i32>} : memref<64x768xf32, #tpu.memory_space<vmem>>, vector<1x16xf32>,
      %get3A_270 = vector.shape_cast %get3A_269 : vector<1x16xf32> to vector<16xf32>
      %get3A_271 = arith.index_cast %scan3A_43 : i32 to index
      %get3A_272 = arith.constant 256 : index
      %get3A_273 = tpu.vector_load %arg7[%get3A_271, %get3A_272] {strides = array<i32>} : memref<64x768xf32, #tpu.memory_space<vmem>>, vector<1x16xf32>,
      %get3A_274 = vector.shape_cast %get3A_273 : vector<1x16xf32> to vector<16xf32>
      %add3A_275 = arith.addf %get3A_270, %get3A_274 : vector<16xf32>
      %swap3A_276 = arith.index_cast %scan3A_43 : i32 to index
      %swap3A_277 = arith.constant 256 : index
      %swap3A_278 = tpu.vector_load %arg6[%swap3A_276, %swap3A_277] {strides = array<i32>} : memref<64x768xf32, #tpu.memory_space<vmem>>, vector<1x16xf32>,
      %swap3A_279 = vector.shape_cast %swap3A_278 : vector<1x16xf32> to vector<16xf32>
      %swap3A_280 = vector.shape_cast %add3A_275 : vector<16xf32> to vector<1x16xf32>
      tpu.vector_store %arg6[%swap3A_276, %swap3A_277], %swap3A_280 {strides = array<i32>} : memref<64x768xf32, #tpu.memory_space<vmem>>, vector<1x16xf32>,
      %get3A_281 = arith.index_cast %scan3A_43 : i32 to index
      %get3A_282 = arith.constant 272 : index
      %get3A_283 = tpu.vector_load %arg6[%get3A_281, %get3A_282] {strides = array<i32>} : memref<64x768xf32, #tpu.memory_space<vmem>>, vector<1x16xf32>,
      %get3A_284 = vector.shape_cast %get3A_283 : vector<1x16xf32> to vector<16xf32>
      %get3A_285 = arith.index_cast %scan3A_43 : i32 to index
      %get3A_286 = arith.constant 272 : index
      %get3A_287 = tpu.vector_load %arg7[%get3A_285, %get3A_286] {strides = array<i32>} : memref<64x768xf32, #tpu.memory_space<vmem>>, vector<1x16xf32>,
      %get3A_288 = vector.shape_cast %get3A_287 : vector<1x16xf32> to vector<16xf32>
      %add3A_289 = arith.addf %get3A_284, %get3A_288 : vector<16xf32>
      %swap3A_290 = arith.index_cast %scan3A_43 : i32 to index
      %swap3A_291 = arith.constant 272 : index
      %swap3A_292 = tpu.vector_load %arg6[%swap3A_290, %swap3A_291] {strides = array<i32>} : memref<64x768xf32, #tpu.memory_space<vmem>>, vector<1x16xf32>,
      %swap3A_293 = vector.shape_cast %swap3A_292 : vector<1x16xf32> to vector<16xf32>
      %swap3A_294 = vector.shape_cast %add3A_289 : vector<16xf32> to vector<1x16xf32>
      tpu.vector_store %arg6[%swap3A_290, %swap3A_291], %swap3A_294 {strides = array<i32>} : memref<64x768xf32, #tpu.memory_space<vmem>>, vector<1x16xf32>,
      %get3A_295 = arith.index_cast %scan3A_43 : i32 to index
      %get3A_296 = arith.constant 288 : index
      %get3A_297 = tpu.vector_load %arg6[%get3A_295, %get3A_296] {strides = array<i32>} : memref<64x768xf32, #tpu.memory_space<vmem>>, vector<1x16xf32>,
      %get3A_298 = vector.shape_cast %get3A_297 : vector<1x16xf32> to vector<16xf32>
      %get3A_299 = arith.index_cast %scan3A_43 : i32 to index
      %get3A_300 = arith.constant 288 : index
      %get3A_301 = tpu.vector_load %arg7[%get3A_299, %get3A_300] {strides = array<i32>} : memref<64x768xf32, #tpu.memory_space<vmem>>, vector<1x16xf32>,
      %get3A_302 = vector.shape_cast %get3A_301 : vector<1x16xf32> to vector<16xf32>
      %add3A_303 = arith.addf %get3A_298, %get3A_302 : vector<16xf32>
      %swap3A_304 = arith.index_cast %scan3A_43 : i32 to index
      %swap3A_305 = arith.constant 288 : index
      %swap3A_306 = tpu.vector_load %arg6[%swap3A_304, %swap3A_305] {strides = array<i32>} : memref<64x768xf32, #tpu.memory_space<vmem>>, vector<1x16xf32>,
      %swap3A_307 = vector.shape_cast %swap3A_306 : vector<1x16xf32> to vector<16xf32>
      %swap3A_308 = vector.shape_cast %add3A_303 : vector<16xf32> to vector<1x16xf32>
      tpu.vector_store %arg6[%swap3A_304, %swap3A_305], %swap3A_308 {strides = array<i32>} : memref<64x768xf32, #tpu.memory_space<vmem>>, vector<1x16xf32>,
      %get3A_309 = arith.index_cast %scan3A_43 : i32 to index
      %get3A_310 = arith.constant 304 : index
      %get3A_311 = tpu.vector_load %arg6[%get3A_309, %get3A_310] {strides = array<i32>} : memref<64x768xf32, #tpu.memory_space<vmem>>, vector<1x16xf32>,
      %get3A_312 = vector.shape_cast %get3A_311 : vector<1x16xf32> to vector<16xf32>
      %get3A_313 = arith.index_cast %scan3A_43 : i32 to index
      %get3A_314 = arith.constant 304 : index
      %get3A_315 = tpu.vector_load %arg7[%get3A_313, %get3A_314] {strides = array<i32>} : memref<64x768xf32, #tpu.memory_space<vmem>>, vector<1x16xf32>,
      %get3A_316 = vector.shape_cast %get3A_315 : vector<1x16xf32> to vector<16xf32>
      %add3A_317 = arith.addf %get3A_312, %get3A_316 : vector<16xf32>
      %swap3A_318 = arith.index_cast %scan3A_43 : i32 to index
      %swap3A_319 = arith.constant 304 : index
      %swap3A_320 = tpu.vector_load %arg6[%swap3A_318, %swap3A_319] {strides = array<i32>} : memref<64x768xf32, #tpu.memory_space<vmem>>, vector<1x16xf32>,
      %swap3A_321 = vector.shape_cast %swap3A_320 : vector<1x16xf32> to vector<16xf32>
      %swap3A_322 = vector.shape_cast %add3A_317 : vector<16xf32> to vector<1x16xf32>
      tpu.vector_store %arg6[%swap3A_318, %swap3A_319], %swap3A_322 {strides = array<i32>} : memref<64x768xf32, #tpu.memory_space<vmem>>, vector<1x16xf32>,
      %get3A_323 = arith.index_cast %scan3A_43 : i32 to index
      %get3A_324 = arith.constant 320 : index
      %get3A_325 = tpu.vector_load %arg6[%get3A_323, %get3A_324] {strides = array<i32>} : memref<64x768xf32, #tpu.memory_space<vmem>>, vector<1x16xf32>,
      %get3A_326 = vector.shape_cast %get3A_325 : vector<1x16xf32> to vector<16xf32>
      %get3A_327 = arith.index_cast %scan3A_43 : i32 to index
      %get3A_328 = arith.constant 320 : index
      %get3A_329 = tpu.vector_load %arg7[%get3A_327, %get3A_328] {strides = array<i32>} : memref<64x768xf32, #tpu.memory_space<vmem>>, vector<1x16xf32>,
      %get3A_330 = vector.shape_cast %get3A_329 : vector<1x16xf32> to vector<16xf32>
      %add3A_331 = arith.addf %get3A_326, %get3A_330 : vector<16xf32>
      %swap3A_332 = arith.index_cast %scan3A_43 : i32 to index
      %swap3A_333 = arith.constant 320 : index
      %swap3A_334 = tpu.vector_load %arg6[%swap3A_332, %swap3A_333] {strides = array<i32>} : memref<64x768xf32, #tpu.memory_space<vmem>>, vector<1x16xf32>,
      %swap3A_335 = vector.shape_cast %swap3A_334 : vector<1x16xf32> to vector<16xf32>
      %swap3A_336 = vector.shape_cast %add3A_331 : vector<16xf32> to vector<1x16xf32>
      tpu.vector_store %arg6[%swap3A_332, %swap3A_333], %swap3A_336 {strides = array<i32>} : memref<64x768xf32, #tpu.memory_space<vmem>>, vector<1x16xf32>,
      %get3A_337 = arith.index_cast %scan3A_43 : i32 to index
      %get3A_338 = arith.constant 336 : index
      %get3A_339 = tpu.vector_load %arg6[%get3A_337, %get3A_338] {strides = array<i32>} : memref<64x768xf32, #tpu.memory_space<vmem>>, vector<1x16xf32>,
      %get3A_340 = vector.shape_cast %get3A_339 : vector<1x16xf32> to vector<16xf32>
      %get3A_341 = arith.index_cast %scan3A_43 : i32 to index
      %get3A_342 = arith.constant 336 : index
      %get3A_343 = tpu.vector_load %arg7[%get3A_341, %get3A_342] {strides = array<i32>} : memref<64x768xf32, #tpu.memory_space<vmem>>, vector<1x16xf32>,
      %get3A_344 = vector.shape_cast %get3A_343 : vector<1x16xf32> to vector<16xf32>
      %add3A_345 = arith.addf %get3A_340, %get3A_344 : vector<16xf32>
      %swap3A_346 = arith.index_cast %scan3A_43 : i32 to index
      %swap3A_347 = arith.constant 336 : index
      %swap3A_348 = tpu.vector_load %arg6[%swap3A_346, %swap3A_347] {strides = array<i32>} : memref<64x768xf32, #tpu.memory_space<vmem>>, vector<1x16xf32>,
      %swap3A_349 = vector.shape_cast %swap3A_348 : vector<1x16xf32> to vector<16xf32>
      %swap3A_350 = vector.shape_cast %add3A_345 : vector<16xf32> to vector<1x16xf32>
      tpu.vector_store %arg6[%swap3A_346, %swap3A_347], %swap3A_350 {strides = array<i32>} : memref<64x768xf32, #tpu.memory_space<vmem>>, vector<1x16xf32>,
      %get3A_351 = arith.index_cast %scan3A_43 : i32 to index
      %get3A_352 = arith.constant 352 : index
      %get3A_353 = tpu.vector_load %arg6[%get3A_351, %get3A_352] {strides = array<i32>} : memref<64x768xf32, #tpu.memory_space<vmem>>, vector<1x16xf32>,
      %get3A_354 = vector.shape_cast %get3A_353 : vector<1x16xf32> to vector<16xf32>
      %get3A_355 = arith.index_cast %scan3A_43 : i32 to index
      %get3A_356 = arith.constant 352 : index
      %get3A_357 = tpu.vector_load %arg7[%get3A_355, %get3A_356] {strides = array<i32>} : memref<64x768xf32, #tpu.memory_space<vmem>>, vector<1x16xf32>,
      %get3A_358 = vector.shape_cast %get3A_357 : vector<1x16xf32> to vector<16xf32>
      %add3A_359 = arith.addf %get3A_354, %get3A_358 : vector<16xf32>
      %swap3A_360 = arith.index_cast %scan3A_43 : i32 to index
      %swap3A_361 = arith.constant 352 : index
      %swap3A_362 = tpu.vector_load %arg6[%swap3A_360, %swap3A_361] {strides = array<i32>} : memref<64x768xf32, #tpu.memory_space<vmem>>, vector<1x16xf32>,
      %swap3A_363 = vector.shape_cast %swap3A_362 : vector<1x16xf32> to vector<16xf32>
      %swap3A_364 = vector.shape_cast %add3A_359 : vector<16xf32> to vector<1x16xf32>
      tpu.vector_store %arg6[%swap3A_360, %swap3A_361], %swap3A_364 {strides = array<i32>} : memref<64x768xf32, #tpu.memory_space<vmem>>, vector<1x16xf32>,
      %get3A_365 = arith.index_cast %scan3A_43 : i32 to index
      %get3A_366 = arith.constant 368 : index
      %get3A_367 = tpu.vector_load %arg6[%get3A_365, %get3A_366] {strides = array<i32>} : memref<64x768xf32, #tpu.memory_space<vmem>>, vector<1x16xf32>,
      %get3A_368 = vector.shape_cast %get3A_367 : vector<1x16xf32> to vector<16xf32>
      %get3A_369 = arith.index_cast %scan3A_43 : i32 to index
      %get3A_370 = arith.constant 368 : index
      %get3A_371 = tpu.vector_load %arg7[%get3A_369, %get3A_370] {strides = array<i32>} : memref<64x768xf32, #tpu.memory_space<vmem>>, vector<1x16xf32>,
      %get3A_372 = vector.shape_cast %get3A_371 : vector<1x16xf32> to vector<16xf32>
      %add3A_373 = arith.addf %get3A_368, %get3A_372 : vector<16xf32>
      %swap3A_374 = arith.index_cast %scan3A_43 : i32 to index
      %swap3A_375 = arith.constant 368 : index
      %swap3A_376 = tpu.vector_load %arg6[%swap3A_374, %swap3A_375] {strides = array<i32>} : memref<64x768xf32, #tpu.memory_space<vmem>>, vector<1x16xf32>,
      %swap3A_377 = vector.shape_cast %swap3A_376 : vector<1x16xf32> to vector<16xf32>
      %swap3A_378 = vector.shape_cast %add3A_373 : vector<16xf32> to vector<1x16xf32>
      tpu.vector_store %arg6[%swap3A_374, %swap3A_375], %swap3A_378 {strides = array<i32>} : memref<64x768xf32, #tpu.memory_space<vmem>>, vector<1x16xf32>,
      %get3A_379 = arith.index_cast %scan3A_43 : i32 to index
      %get3A_380 = arith.constant 384 : index
      %get3A_381 = tpu.vector_load %arg6[%get3A_379, %get3A_380] {strides = array<i32>} : memref<64x768xf32, #tpu.memory_space<vmem>>, vector<1x16xf32>,
      %get3A_382 = vector.shape_cast %get3A_381 : vector<1x16xf32> to vector<16xf32>
      %get3A_383 = arith.index_cast %scan3A_43 : i32 to index
      %get3A_384 = arith.constant 384 : index
      %get3A_385 = tpu.vector_load %arg7[%get3A_383, %get3A_384] {strides = array<i32>} : memref<64x768xf32, #tpu.memory_space<vmem>>, vector<1x16xf32>,
      %get3A_386 = vector.shape_cast %get3A_385 : vector<1x16xf32> to vector<16xf32>
      %add3A_387 = arith.addf %get3A_382, %get3A_386 : vector<16xf32>
      %swap3A_388 = arith.index_cast %scan3A_43 : i32 to index
      %swap3A_389 = arith.constant 384 : index
      %swap3A_390 = tpu.vector_load %arg6[%swap3A_388, %swap3A_389] {strides = array<i32>} : memref<64x768xf32, #tpu.memory_space<vmem>>, vector<1x16xf32>,
      %swap3A_391 = vector.shape_cast %swap3A_390 : vector<1x16xf32> to vector<16xf32>
      %swap3A_392 = vector.shape_cast %add3A_387 : vector<16xf32> to vector<1x16xf32>
      tpu.vector_store %arg6[%swap3A_388, %swap3A_389], %swap3A_392 {strides = array<i32>} : memref<64x768xf32, #tpu.memory_space<vmem>>, vector<1x16xf32>,
      %get3A_393 = arith.index_cast %scan3A_43 : i32 to index
      %get3A_394 = arith.constant 400 : index
      %get3A_395 = tpu.vector_load %arg6[%get3A_393, %get3A_394] {strides = array<i32>} : memref<64x768xf32, #tpu.memory_space<vmem>>, vector<1x16xf32>,
      %get3A_396 = vector.shape_cast %get3A_395 : vector<1x16xf32> to vector<16xf32>
      %get3A_397 = arith.index_cast %scan3A_43 : i32 to index
      %get3A_398 = arith.constant 400 : index
      %get3A_399 = tpu.vector_load %arg7[%get3A_397, %get3A_398] {strides = array<i32>} : memref<64x768xf32, #tpu.memory_space<vmem>>, vector<1x16xf32>,
      %get3A_400 = vector.shape_cast %get3A_399 : vector<1x16xf32> to vector<16xf32>
      %add3A_401 = arith.addf %get3A_396, %get3A_400 : vector<16xf32>
      %swap3A_402 = arith.index_cast %scan3A_43 : i32 to index
      %swap3A_403 = arith.constant 400 : index
      %swap3A_404 = tpu.vector_load %arg6[%swap3A_402, %swap3A_403] {strides = array<i32>} : memref<64x768xf32, #tpu.memory_space<vmem>>, vector<1x16xf32>,
      %swap3A_405 = vector.shape_cast %swap3A_404 : vector<1x16xf32> to vector<16xf32>
      %swap3A_406 = vector.shape_cast %add3A_401 : vector<16xf32> to vector<1x16xf32>
      tpu.vector_store %arg6[%swap3A_402, %swap3A_403], %swap3A_406 {strides = array<i32>} : memref<64x768xf32, #tpu.memory_space<vmem>>, vector<1x16xf32>,
      %get3A_407 = arith.index_cast %scan3A_43 : i32 to index
      %get3A_408 = arith.constant 416 : index
      %get3A_409 = tpu.vector_load %arg6[%get3A_407, %get3A_408] {strides = array<i32>} : memref<64x768xf32, #tpu.memory_space<vmem>>, vector<1x16xf32>,
      %get3A_410 = vector.shape_cast %get3A_409 : vector<1x16xf32> to vector<16xf32>
      %get3A_411 = arith.index_cast %scan3A_43 : i32 to index
      %get3A_412 = arith.constant 416 : index
      %get3A_413 = tpu.vector_load %arg7[%get3A_411, %get3A_412] {strides = array<i32>} : memref<64x768xf32, #tpu.memory_space<vmem>>, vector<1x16xf32>,
      %get3A_414 = vector.shape_cast %get3A_413 : vector<1x16xf32> to vector<16xf32>
      %add3A_415 = arith.addf %get3A_410, %get3A_414 : vector<16xf32>
      %swap3A_416 = arith.index_cast %scan3A_43 : i32 to index
      %swap3A_417 = arith.constant 416 : index
      %swap3A_418 = tpu.vector_load %arg6[%swap3A_416, %swap3A_417] {strides = array<i32>} : memref<64x768xf32, #tpu.memory_space<vmem>>, vector<1x16xf32>,
      %swap3A_419 = vector.shape_cast %swap3A_418 : vector<1x16xf32> to vector<16xf32>
      %swap3A_420 = vector.shape_cast %add3A_415 : vector<16xf32> to vector<1x16xf32>
      tpu.vector_store %arg6[%swap3A_416, %swap3A_417], %swap3A_420 {strides = array<i32>} : memref<64x768xf32, #tpu.memory_space<vmem>>, vector<1x16xf32>,
      %get3A_421 = arith.index_cast %scan3A_43 : i32 to index
      %get3A_422 = arith.constant 432 : index
      %get3A_423 = tpu.vector_load %arg6[%get3A_421, %get3A_422] {strides = array<i32>} : memref<64x768xf32, #tpu.memory_space<vmem>>, vector<1x16xf32>,
      %get3A_424 = vector.shape_cast %get3A_423 : vector<1x16xf32> to vector<16xf32>
      %get3A_425 = arith.index_cast %scan3A_43 : i32 to index
      %get3A_426 = arith.constant 432 : index
      %get3A_427 = tpu.vector_load %arg7[%get3A_425, %get3A_426] {strides = array<i32>} : memref<64x768xf32, #tpu.memory_space<vmem>>, vector<1x16xf32>,
      %get3A_428 = vector.shape_cast %get3A_427 : vector<1x16xf32> to vector<16xf32>
      %add3A_429 = arith.addf %get3A_424, %get3A_428 : vector<16xf32>
      %swap3A_430 = arith.index_cast %scan3A_43 : i32 to index
      %swap3A_431 = arith.constant 432 : index
      %swap3A_432 = tpu.vector_load %arg6[%swap3A_430, %swap3A_431] {strides = array<i32>} : memref<64x768xf32, #tpu.memory_space<vmem>>, vector<1x16xf32>,
      %swap3A_433 = vector.shape_cast %swap3A_432 : vector<1x16xf32> to vector<16xf32>
      %swap3A_434 = vector.shape_cast %add3A_429 : vector<16xf32> to vector<1x16xf32>
      tpu.vector_store %arg6[%swap3A_430, %swap3A_431], %swap3A_434 {strides = array<i32>} : memref<64x768xf32, #tpu.memory_space<vmem>>, vector<1x16xf32>,
      %get3A_435 = arith.index_cast %scan3A_43 : i32 to index
      %get3A_436 = arith.constant 448 : index
      %get3A_437 = tpu.vector_load %arg6[%get3A_435, %get3A_436] {strides = array<i32>} : memref<64x768xf32, #tpu.memory_space<vmem>>, vector<1x16xf32>,
      %get3A_438 = vector.shape_cast %get3A_437 : vector<1x16xf32> to vector<16xf32>
      %get3A_439 = arith.index_cast %scan3A_43 : i32 to index
      %get3A_440 = arith.constant 448 : index
      %get3A_441 = tpu.vector_load %arg7[%get3A_439, %get3A_440] {strides = array<i32>} : memref<64x768xf32, #tpu.memory_space<vmem>>, vector<1x16xf32>,
      %get3A_442 = vector.shape_cast %get3A_441 : vector<1x16xf32> to vector<16xf32>
      %add3A_443 = arith.addf %get3A_438, %get3A_442 : vector<16xf32>
      %swap3A_444 = arith.index_cast %scan3A_43 : i32 to index
      %swap3A_445 = arith.constant 448 : index
      %swap3A_446 = tpu.vector_load %arg6[%swap3A_444, %swap3A_445] {strides = array<i32>} : memref<64x768xf32, #tpu.memory_space<vmem>>, vector<1x16xf32>,
      %swap3A_447 = vector.shape_cast %swap3A_446 : vector<1x16xf32> to vector<16xf32>
      %swap3A_448 = vector.shape_cast %add3A_443 : vector<16xf32> to vector<1x16xf32>
      tpu.vector_store %arg6[%swap3A_444, %swap3A_445], %swap3A_448 {strides = array<i32>} : memref<64x768xf32, #tpu.memory_space<vmem>>, vector<1x16xf32>,
      %get3A_449 = arith.index_cast %scan3A_43 : i32 to index
      %get3A_450 = arith.constant 464 : index
      %get3A_451 = tpu.vector_load %arg6[%get3A_449, %get3A_450] {strides = array<i32>} : memref<64x768xf32, #tpu.memory_space<vmem>>, vector<1x16xf32>,
      %get3A_452 = vector.shape_cast %get3A_451 : vector<1x16xf32> to vector<16xf32>
      %get3A_453 = arith.index_cast %scan3A_43 : i32 to index
      %get3A_454 = arith.constant 464 : index
      %get3A_455 = tpu.vector_load %arg7[%get3A_453, %get3A_454] {strides = array<i32>} : memref<64x768xf32, #tpu.memory_space<vmem>>, vector<1x16xf32>,
      %get3A_456 = vector.shape_cast %get3A_455 : vector<1x16xf32> to vector<16xf32>
      %add3A_457 = arith.addf %get3A_452, %get3A_456 : vector<16xf32>
      %swap3A_458 = arith.index_cast %scan3A_43 : i32 to index
      %swap3A_459 = arith.constant 464 : index
      %swap3A_460 = tpu.vector_load %arg6[%swap3A_458, %swap3A_459] {strides = array<i32>} : memref<64x768xf32, #tpu.memory_space<vmem>>, vector<1x16xf32>,
      %swap3A_461 = vector.shape_cast %swap3A_460 : vector<1x16xf32> to vector<16xf32>
      %swap3A_462 = vector.shape_cast %add3A_457 : vector<16xf32> to vector<1x16xf32>
      tpu.vector_store %arg6[%swap3A_458, %swap3A_459], %swap3A_462 {strides = array<i32>} : memref<64x768xf32, #tpu.memory_space<vmem>>, vector<1x16xf32>,
      %get3A_463 = arith.index_cast %scan3A_43 : i32 to index
      %get3A_464 = arith.constant 480 : index
      %get3A_465 = tpu.vector_load %arg6[%get3A_463, %get3A_464] {strides = array<i32>} : memref<64x768xf32, #tpu.memory_space<vmem>>, vector<1x16xf32>,
      %get3A_466 = vector.shape_cast %get3A_465 : vector<1x16xf32> to vector<16xf32>
      %get3A_467 = arith.index_cast %scan3A_43 : i32 to index
      %get3A_468 = arith.constant 480 : index
      %get3A_469 = tpu.vector_load %arg7[%get3A_467, %get3A_468] {strides = array<i32>} : memref<64x768xf32, #tpu.memory_space<vmem>>, vector<1x16xf32>,
      %get3A_470 = vector.shape_cast %get3A_469 : vector<1x16xf32> to vector<16xf32>
      %add3A_471 = arith.addf %get3A_466, %get3A_470 : vector<16xf32>
      %swap3A_472 = arith.index_cast %scan3A_43 : i32 to index
      %swap3A_473 = arith.constant 480 : index
      %swap3A_474 = tpu.vector_load %arg6[%swap3A_472, %swap3A_473] {strides = array<i32>} : memref<64x768xf32, #tpu.memory_space<vmem>>, vector<1x16xf32>,
      %swap3A_475 = vector.shape_cast %swap3A_474 : vector<1x16xf32> to vector<16xf32>
      %swap3A_476 = vector.shape_cast %add3A_471 : vector<16xf32> to vector<1x16xf32>
      tpu.vector_store %arg6[%swap3A_472, %swap3A_473], %swap3A_476 {strides = array<i32>} : memref<64x768xf32, #tpu.memory_space<vmem>>, vector<1x16xf32>,
      %get3A_477 = arith.index_cast %scan3A_43 : i32 to index
      %get3A_478 = arith.constant 496 : index
      %get3A_479 = tpu.vector_load %arg6[%get3A_477, %get3A_478] {strides = array<i32>} : memref<64x768xf32, #tpu.memory_space<vmem>>, vector<1x16xf32>,
      %get3A_480 = vector.shape_cast %get3A_479 : vector<1x16xf32> to vector<16xf32>
      %get3A_481 = arith.index_cast %scan3A_43 : i32 to index
      %get3A_482 = arith.constant 496 : index
      %get3A_483 = tpu.vector_load %arg7[%get3A_481, %get3A_482] {strides = array<i32>} : memref<64x768xf32, #tpu.memory_space<vmem>>, vector<1x16xf32>,
      %get3A_484 = vector.shape_cast %get3A_483 : vector<1x16xf32> to vector<16xf32>
      %add3A_485 = arith.addf %get3A_480, %get3A_484 : vector<16xf32>
      %swap3A_486 = arith.index_cast %scan3A_43 : i32 to index
      %swap3A_487 = arith.constant 496 : index
      %swap3A_488 = tpu.vector_load %arg6[%swap3A_486, %swap3A_487] {strides = array<i32>} : memref<64x768xf32, #tpu.memory_space<vmem>>, vector<1x16xf32>,
      %swap3A_489 = vector.shape_cast %swap3A_488 : vector<1x16xf32> to vector<16xf32>
      %swap3A_490 = vector.shape_cast %add3A_485 : vector<16xf32> to vector<1x16xf32>
      tpu.vector_store %arg6[%swap3A_486, %swap3A_487], %swap3A_490 {strides = array<i32>} : memref<64x768xf32, #tpu.memory_space<vmem>>, vector<1x16xf32>,
      %get3A_491 = arith.index_cast %scan3A_43 : i32 to index
      %get3A_492 = arith.constant 512 : index
      %get3A_493 = tpu.vector_load %arg6[%get3A_491, %get3A_492] {strides = array<i32>} : memref<64x768xf32, #tpu.memory_space<vmem>>, vector<1x16xf32>,
      %get3A_494 = vector.shape_cast %get3A_493 : vector<1x16xf32> to vector<16xf32>
      %get3A_495 = arith.index_cast %scan3A_43 : i32 to index
      %get3A_496 = arith.constant 512 : index
      %get3A_497 = tpu.vector_load %arg7[%get3A_495, %get3A_496] {strides = array<i32>} : memref<64x768xf32, #tpu.memory_space<vmem>>, vector<1x16xf32>,
      %get3A_498 = vector.shape_cast %get3A_497 : vector<1x16xf32> to vector<16xf32>
      %add3A_499 = arith.addf %get3A_494, %get3A_498 : vector<16xf32>
      %swap3A_500 = arith.index_cast %scan3A_43 : i32 to index
      %swap3A_501 = arith.constant 512 : index
      %swap3A_502 = tpu.vector_load %arg6[%swap3A_500, %swap3A_501] {strides = array<i32>} : memref<64x768xf32, #tpu.memory_space<vmem>>, vector<1x16xf32>,
      %swap3A_503 = vector.shape_cast %swap3A_502 : vector<1x16xf32> to vector<16xf32>
      %swap3A_504 = vector.shape_cast %add3A_499 : vector<16xf32> to vector<1x16xf32>
      tpu.vector_store %arg6[%swap3A_500, %swap3A_501], %swap3A_504 {strides = array<i32>} : memref<64x768xf32, #tpu.memory_space<vmem>>, vector<1x16xf32>,
      %get3A_505 = arith.index_cast %scan3A_43 : i32 to index
      %get3A_506 = arith.constant 528 : index
      %get3A_507 = tpu.vector_load %arg6[%get3A_505, %get3A_506] {strides = array<i32>} : memref<64x768xf32, #tpu.memory_space<vmem>>, vector<1x16xf32>,
      %get3A_508 = vector.shape_cast %get3A_507 : vector<1x16xf32> to vector<16xf32>
      %get3A_509 = arith.index_cast %scan3A_43 : i32 to index
      %get3A_510 = arith.constant 528 : index
      %get3A_511 = tpu.vector_load %arg7[%get3A_509, %get3A_510] {strides = array<i32>} : memref<64x768xf32, #tpu.memory_space<vmem>>, vector<1x16xf32>,
      %get3A_512 = vector.shape_cast %get3A_511 : vector<1x16xf32> to vector<16xf32>
      %add3A_513 = arith.addf %get3A_508, %get3A_512 : vector<16xf32>
      %swap3A_514 = arith.index_cast %scan3A_43 : i32 to index
      %swap3A_515 = arith.constant 528 : index
      %swap3A_516 = tpu.vector_load %arg6[%swap3A_514, %swap3A_515] {strides = array<i32>} : memref<64x768xf32, #tpu.memory_space<vmem>>, vector<1x16xf32>,
      %swap3A_517 = vector.shape_cast %swap3A_516 : vector<1x16xf32> to vector<16xf32>
      %swap3A_518 = vector.shape_cast %add3A_513 : vector<16xf32> to vector<1x16xf32>
      tpu.vector_store %arg6[%swap3A_514, %swap3A_515], %swap3A_518 {strides = array<i32>} : memref<64x768xf32, #tpu.memory_space<vmem>>, vector<1x16xf32>,
      %get3A_519 = arith.index_cast %scan3A_43 : i32 to index
      %get3A_520 = arith.constant 544 : index
      %get3A_521 = tpu.vector_load %arg6[%get3A_519, %get3A_520] {strides = array<i32>} : memref<64x768xf32, #tpu.memory_space<vmem>>, vector<1x16xf32>,
      %get3A_522 = vector.shape_cast %get3A_521 : vector<1x16xf32> to vector<16xf32>
      %get3A_523 = arith.index_cast %scan3A_43 : i32 to index
      %get3A_524 = arith.constant 544 : index
      %get3A_525 = tpu.vector_load %arg7[%get3A_523, %get3A_524] {strides = array<i32>} : memref<64x768xf32, #tpu.memory_space<vmem>>, vector<1x16xf32>,
      %get3A_526 = vector.shape_cast %get3A_525 : vector<1x16xf32> to vector<16xf32>
      %add3A_527 = arith.addf %get3A_522, %get3A_526 : vector<16xf32>
      %swap3A_528 = arith.index_cast %scan3A_43 : i32 to index
      %swap3A_529 = arith.constant 544 : index
      %swap3A_530 = tpu.vector_load %arg6[%swap3A_528, %swap3A_529] {strides = array<i32>} : memref<64x768xf32, #tpu.memory_space<vmem>>, vector<1x16xf32>,
      %swap3A_531 = vector.shape_cast %swap3A_530 : vector<1x16xf32> to vector<16xf32>
      %swap3A_532 = vector.shape_cast %add3A_527 : vector<16xf32> to vector<1x16xf32>
      tpu.vector_store %arg6[%swap3A_528, %swap3A_529], %swap3A_532 {strides = array<i32>} : memref<64x768xf32, #tpu.memory_space<vmem>>, vector<1x16xf32>,
      %get3A_533 = arith.index_cast %scan3A_43 : i32 to index
      %get3A_534 = arith.constant 560 : index
      %get3A_535 = tpu.vector_load %arg6[%get3A_533, %get3A_534] {strides = array<i32>} : memref<64x768xf32, #tpu.memory_space<vmem>>, vector<1x16xf32>,
      %get3A_536 = vector.shape_cast %get3A_535 : vector<1x16xf32> to vector<16xf32>
      %get3A_537 = arith.index_cast %scan3A_43 : i32 to index
      %get3A_538 = arith.constant 560 : index
      %get3A_539 = tpu.vector_load %arg7[%get3A_537, %get3A_538] {strides = array<i32>} : memref<64x768xf32, #tpu.memory_space<vmem>>, vector<1x16xf32>,
      %get3A_540 = vector.shape_cast %get3A_539 : vector<1x16xf32> to vector<16xf32>
      %add3A_541 = arith.addf %get3A_536, %get3A_540 : vector<16xf32>
      %swap3A_542 = arith.index_cast %scan3A_43 : i32 to index
      %swap3A_543 = arith.constant 560 : index
      %swap3A_544 = tpu.vector_load %arg6[%swap3A_542, %swap3A_543] {strides = array<i32>} : memref<64x768xf32, #tpu.memory_space<vmem>>, vector<1x16xf32>,
      %swap3A_545 = vector.shape_cast %swap3A_544 : vector<1x16xf32> to vector<16xf32>
      %swap3A_546 = vector.shape_cast %add3A_541 : vector<16xf32> to vector<1x16xf32>
      tpu.vector_store %arg6[%swap3A_542, %swap3A_543], %swap3A_546 {strides = array<i32>} : memref<64x768xf32, #tpu.memory_space<vmem>>, vector<1x16xf32>,
      %get3A_547 = arith.index_cast %scan3A_43 : i32 to index
      %get3A_548 = arith.constant 576 : index
      %get3A_549 = tpu.vector_load %arg6[%get3A_547, %get3A_548] {strides = array<i32>} : memref<64x768xf32, #tpu.memory_space<vmem>>, vector<1x16xf32>,
      %get3A_550 = vector.shape_cast %get3A_549 : vector<1x16xf32> to vector<16xf32>
      %get3A_551 = arith.index_cast %scan3A_43 : i32 to index
      %get3A_552 = arith.constant 576 : index
      %get3A_553 = tpu.vector_load %arg7[%get3A_551, %get3A_552] {strides = array<i32>} : memref<64x768xf32, #tpu.memory_space<vmem>>, vector<1x16xf32>,
      %get3A_554 = vector.shape_cast %get3A_553 : vector<1x16xf32> to vector<16xf32>
      %add3A_555 = arith.addf %get3A_550, %get3A_554 : vector<16xf32>
      %swap3A_556 = arith.index_cast %scan3A_43 : i32 to index
      %swap3A_557 = arith.constant 576 : index
      %swap3A_558 = tpu.vector_load %arg6[%swap3A_556, %swap3A_557] {strides = array<i32>} : memref<64x768xf32, #tpu.memory_space<vmem>>, vector<1x16xf32>,
      %swap3A_559 = vector.shape_cast %swap3A_558 : vector<1x16xf32> to vector<16xf32>
      %swap3A_560 = vector.shape_cast %add3A_555 : vector<16xf32> to vector<1x16xf32>
      tpu.vector_store %arg6[%swap3A_556, %swap3A_557], %swap3A_560 {strides = array<i32>} : memref<64x768xf32, #tpu.memory_space<vmem>>, vector<1x16xf32>,
      %get3A_561 = arith.index_cast %scan3A_43 : i32 to index
      %get3A_562 = arith.constant 592 : index
      %get3A_563 = tpu.vector_load %arg6[%get3A_561, %get3A_562] {strides = array<i32>} : memref<64x768xf32, #tpu.memory_space<vmem>>, vector<1x16xf32>,
      %get3A_564 = vector.shape_cast %get3A_563 : vector<1x16xf32> to vector<16xf32>
      %get3A_565 = arith.index_cast %scan3A_43 : i32 to index
      %get3A_566 = arith.constant 592 : index
      %get3A_567 = tpu.vector_load %arg7[%get3A_565, %get3A_566] {strides = array<i32>} : memref<64x768xf32, #tpu.memory_space<vmem>>, vector<1x16xf32>,
      %get3A_568 = vector.shape_cast %get3A_567 : vector<1x16xf32> to vector<16xf32>
      %add3A_569 = arith.addf %get3A_564, %get3A_568 : vector<16xf32>
      %swap3A_570 = arith.index_cast %scan3A_43 : i32 to index
      %swap3A_571 = arith.constant 592 : index
      %swap3A_572 = tpu.vector_load %arg6[%swap3A_570, %swap3A_571] {strides = array<i32>} : memref<64x768xf32, #tpu.memory_space<vmem>>, vector<1x16xf32>,
      %swap3A_573 = vector.shape_cast %swap3A_572 : vector<1x16xf32> to vector<16xf32>
      %swap3A_574 = vector.shape_cast %add3A_569 : vector<16xf32> to vector<1x16xf32>
      tpu.vector_store %arg6[%swap3A_570, %swap3A_571], %swap3A_574 {strides = array<i32>} : memref<64x768xf32, #tpu.memory_space<vmem>>, vector<1x16xf32>,
      %get3A_575 = arith.index_cast %scan3A_43 : i32 to index
      %get3A_576 = arith.constant 608 : index
      %get3A_577 = tpu.vector_load %arg6[%get3A_575, %get3A_576] {strides = array<i32>} : memref<64x768xf32, #tpu.memory_space<vmem>>, vector<1x16xf32>,
      %get3A_578 = vector.shape_cast %get3A_577 : vector<1x16xf32> to vector<16xf32>
      %get3A_579 = arith.index_cast %scan3A_43 : i32 to index
      %get3A_580 = arith.constant 608 : index
      %get3A_581 = tpu.vector_load %arg7[%get3A_579, %get3A_580] {strides = array<i32>} : memref<64x768xf32, #tpu.memory_space<vmem>>, vector<1x16xf32>,
      %get3A_582 = vector.shape_cast %get3A_581 : vector<1x16xf32> to vector<16xf32>
      %add3A_583 = arith.addf %get3A_578, %get3A_582 : vector<16xf32>
      %swap3A_584 = arith.index_cast %scan3A_43 : i32 to index
      %swap3A_585 = arith.constant 608 : index
      %swap3A_586 = tpu.vector_load %arg6[%swap3A_584, %swap3A_585] {strides = array<i32>} : memref<64x768xf32, #tpu.memory_space<vmem>>, vector<1x16xf32>,
      %swap3A_587 = vector.shape_cast %swap3A_586 : vector<1x16xf32> to vector<16xf32>
      %swap3A_588 = vector.shape_cast %add3A_583 : vector<16xf32> to vector<1x16xf32>
      tpu.vector_store %arg6[%swap3A_584, %swap3A_585], %swap3A_588 {strides = array<i32>} : memref<64x768xf32, #tpu.memory_space<vmem>>, vector<1x16xf32>,
      %get3A_589 = arith.index_cast %scan3A_43 : i32 to index
      %get3A_590 = arith.constant 624 : index
      %get3A_591 = tpu.vector_load %arg6[%get3A_589, %get3A_590] {strides = array<i32>} : memref<64x768xf32, #tpu.memory_space<vmem>>, vector<1x16xf32>,
      %get3A_592 = vector.shape_cast %get3A_591 : vector<1x16xf32> to vector<16xf32>
      %get3A_593 = arith.index_cast %scan3A_43 : i32 to index
      %get3A_594 = arith.constant 624 : index
      %get3A_595 = tpu.vector_load %arg7[%get3A_593, %get3A_594] {strides = array<i32>} : memref<64x768xf32, #tpu.memory_space<vmem>>, vector<1x16xf32>,
      %get3A_596 = vector.shape_cast %get3A_595 : vector<1x16xf32> to vector<16xf32>
      %add3A_597 = arith.addf %get3A_592, %get3A_596 : vector<16xf32>
      %swap3A_598 = arith.index_cast %scan3A_43 : i32 to index
      %swap3A_599 = arith.constant 624 : index
      %swap3A_600 = tpu.vector_load %arg6[%swap3A_598, %swap3A_599] {strides = array<i32>} : memref<64x768xf32, #tpu.memory_space<vmem>>, vector<1x16xf32>,
      %swap3A_601 = vector.shape_cast %swap3A_600 : vector<1x16xf32> to vector<16xf32>
      %swap3A_602 = vector.shape_cast %add3A_597 : vector<16xf32> to vector<1x16xf32>
      tpu.vector_store %arg6[%swap3A_598, %swap3A_599], %swap3A_602 {strides = array<i32>} : memref<64x768xf32, #tpu.memory_space<vmem>>, vector<1x16xf32>,
      %get3A_603 = arith.index_cast %scan3A_43 : i32 to index
      %get3A_604 = arith.constant 640 : index
      %get3A_605 = tpu.vector_load %arg6[%get3A_603, %get3A_604] {strides = array<i32>} : memref<64x768xf32, #tpu.memory_space<vmem>>, vector<1x16xf32>,
      %get3A_606 = vector.shape_cast %get3A_605 : vector<1x16xf32> to vector<16xf32>
      %get3A_607 = arith.index_cast %scan3A_43 : i32 to index
      %get3A_608 = arith.constant 640 : index
      %get3A_609 = tpu.vector_load %arg7[%get3A_607, %get3A_608] {strides = array<i32>} : memref<64x768xf32, #tpu.memory_space<vmem>>, vector<1x16xf32>,
      %get3A_610 = vector.shape_cast %get3A_609 : vector<1x16xf32> to vector<16xf32>
      %add3A_611 = arith.addf %get3A_606, %get3A_610 : vector<16xf32>
      %swap3A_612 = arith.index_cast %scan3A_43 : i32 to index
      %swap3A_613 = arith.constant 640 : index
      %swap3A_614 = tpu.vector_load %arg6[%swap3A_612, %swap3A_613] {strides = array<i32>} : memref<64x768xf32, #tpu.memory_space<vmem>>, vector<1x16xf32>,
      %swap3A_615 = vector.shape_cast %swap3A_614 : vector<1x16xf32> to vector<16xf32>
      %swap3A_616 = vector.shape_cast %add3A_611 : vector<16xf32> to vector<1x16xf32>
      tpu.vector_store %arg6[%swap3A_612, %swap3A_613], %swap3A_616 {strides = array<i32>} : memref<64x768xf32, #tpu.memory_space<vmem>>, vector<1x16xf32>,
      %get3A_617 = arith.index_cast %scan3A_43 : i32 to index
      %get3A_618 = arith.constant 656 : index
      %get3A_619 = tpu.vector_load %arg6[%get3A_617, %get3A_618] {strides = array<i32>} : memref<64x768xf32, #tpu.memory_space<vmem>>, vector<1x16xf32>,
      %get3A_620 = vector.shape_cast %get3A_619 : vector<1x16xf32> to vector<16xf32>
      %get3A_621 = arith.index_cast %scan3A_43 : i32 to index
      %get3A_622 = arith.constant 656 : index
      %get3A_623 = tpu.vector_load %arg7[%get3A_621, %get3A_622] {strides = array<i32>} : memref<64x768xf32, #tpu.memory_space<vmem>>, vector<1x16xf32>,
      %get3A_624 = vector.shape_cast %get3A_623 : vector<1x16xf32> to vector<16xf32>
      %add3A_625 = arith.addf %get3A_620, %get3A_624 : vector<16xf32>
      %swap3A_626 = arith.index_cast %scan3A_43 : i32 to index
      %swap3A_627 = arith.constant 656 : index
      %swap3A_628 = tpu.vector_load %arg6[%swap3A_626, %swap3A_627] {strides = array<i32>} : memref<64x768xf32, #tpu.memory_space<vmem>>, vector<1x16xf32>,
      %swap3A_629 = vector.shape_cast %swap3A_628 : vector<1x16xf32> to vector<16xf32>
      %swap3A_630 = vector.shape_cast %add3A_625 : vector<16xf32> to vector<1x16xf32>
      tpu.vector_store %arg6[%swap3A_626, %swap3A_627], %swap3A_630 {strides = array<i32>} : memref<64x768xf32, #tpu.memory_space<vmem>>, vector<1x16xf32>,
      %get3A_631 = arith.index_cast %scan3A_43 : i32 to index
      %get3A_632 = arith.constant 672 : index
      %get3A_633 = tpu.vector_load %arg6[%get3A_631, %get3A_632] {strides = array<i32>} : memref<64x768xf32, #tpu.memory_space<vmem>>, vector<1x16xf32>,
      %get3A_634 = vector.shape_cast %get3A_633 : vector<1x16xf32> to vector<16xf32>
      %get3A_635 = arith.index_cast %scan3A_43 : i32 to index
      %get3A_636 = arith.constant 672 : index
      %get3A_637 = tpu.vector_load %arg7[%get3A_635, %get3A_636] {strides = array<i32>} : memref<64x768xf32, #tpu.memory_space<vmem>>, vector<1x16xf32>,
      %get3A_638 = vector.shape_cast %get3A_637 : vector<1x16xf32> to vector<16xf32>
      %add3A_639 = arith.addf %get3A_634, %get3A_638 : vector<16xf32>
      %swap3A_640 = arith.index_cast %scan3A_43 : i32 to index
      %swap3A_641 = arith.constant 672 : index
      %swap3A_642 = tpu.vector_load %arg6[%swap3A_640, %swap3A_641] {strides = array<i32>} : memref<64x768xf32, #tpu.memory_space<vmem>>, vector<1x16xf32>,
      %swap3A_643 = vector.shape_cast %swap3A_642 : vector<1x16xf32> to vector<16xf32>
      %swap3A_644 = vector.shape_cast %add3A_639 : vector<16xf32> to vector<1x16xf32>
      tpu.vector_store %arg6[%swap3A_640, %swap3A_641], %swap3A_644 {strides = array<i32>} : memref<64x768xf32, #tpu.memory_space<vmem>>, vector<1x16xf32>,
      %get3A_645 = arith.index_cast %scan3A_43 : i32 to index
      %get3A_646 = arith.constant 688 : index
      %get3A_647 = tpu.vector_load %arg6[%get3A_645, %get3A_646] {strides = array<i32>} : memref<64x768xf32, #tpu.memory_space<vmem>>, vector<1x16xf32>,
      %get3A_648 = vector.shape_cast %get3A_647 : vector<1x16xf32> to vector<16xf32>
      %get3A_649 = arith.index_cast %scan3A_43 : i32 to index
      %get3A_650 = arith.constant 688 : index
      %get3A_651 = tpu.vector_load %arg7[%get3A_649, %get3A_650] {strides = array<i32>} : memref<64x768xf32, #tpu.memory_space<vmem>>, vector<1x16xf32>,
      %get3A_652 = vector.shape_cast %get3A_651 : vector<1x16xf32> to vector<16xf32>
      %add3A_653 = arith.addf %get3A_648, %get3A_652 : vector<16xf32>
      %swap3A_654 = arith.index_cast %scan3A_43 : i32 to index
      %swap3A_655 = arith.constant 688 : index
      %swap3A_656 = tpu.vector_load %arg6[%swap3A_654, %swap3A_655] {strides = array<i32>} : memref<64x768xf32, #tpu.memory_space<vmem>>, vector<1x16xf32>,
      %swap3A_657 = vector.shape_cast %swap3A_656 : vector<1x16xf32> to vector<16xf32>
      %swap3A_658 = vector.shape_cast %add3A_653 : vector<16xf32> to vector<1x16xf32>
      tpu.vector_store %arg6[%swap3A_654, %swap3A_655], %swap3A_658 {strides = array<i32>} : memref<64x768xf32, #tpu.memory_space<vmem>>, vector<1x16xf32>,
      %get3A_659 = arith.index_cast %scan3A_43 : i32 to index
      %get3A_660 = arith.constant 704 : index
      %get3A_661 = tpu.vector_load %arg6[%get3A_659, %get3A_660] {strides = array<i32>} : memref<64x768xf32, #tpu.memory_space<vmem>>, vector<1x16xf32>,
      %get3A_662 = vector.shape_cast %get3A_661 : vector<1x16xf32> to vector<16xf32>
      %get3A_663 = arith.index_cast %scan3A_43 : i32 to index
      %get3A_664 = arith.constant 704 : index
      %get3A_665 = tpu.vector_load %arg7[%get3A_663, %get3A_664] {strides = array<i32>} : memref<64x768xf32, #tpu.memory_space<vmem>>, vector<1x16xf32>,
      %get3A_666 = vector.shape_cast %get3A_665 : vector<1x16xf32> to vector<16xf32>
      %add3A_667 = arith.addf %get3A_662, %get3A_666 : vector<16xf32>
      %swap3A_668 = arith.index_cast %scan3A_43 : i32 to index
      %swap3A_669 = arith.constant 704 : index
      %swap3A_670 = tpu.vector_load %arg6[%swap3A_668, %swap3A_669] {strides = array<i32>} : memref<64x768xf32, #tpu.memory_space<vmem>>, vector<1x16xf32>,
      %swap3A_671 = vector.shape_cast %swap3A_670 : vector<1x16xf32> to vector<16xf32>
      %swap3A_672 = vector.shape_cast %add3A_667 : vector<16xf32> to vector<1x16xf32>
      tpu.vector_store %arg6[%swap3A_668, %swap3A_669], %swap3A_672 {strides = array<i32>} : memref<64x768xf32, #tpu.memory_space<vmem>>, vector<1x16xf32>,
      %get3A_673 = arith.index_cast %scan3A_43 : i32 to index
      %get3A_674 = arith.constant 720 : index
      %get3A_675 = tpu.vector_load %arg6[%get3A_673, %get3A_674] {strides = array<i32>} : memref<64x768xf32, #tpu.memory_space<vmem>>, vector<1x16xf32>,
      %get3A_676 = vector.shape_cast %get3A_675 : vector<1x16xf32> to vector<16xf32>
      %get3A_677 = arith.index_cast %scan3A_43 : i32 to index
      %get3A_678 = arith.constant 720 : index
      %get3A_679 = tpu.vector_load %arg7[%get3A_677, %get3A_678] {strides = array<i32>} : memref<64x768xf32, #tpu.memory_space<vmem>>, vector<1x16xf32>,
      %get3A_680 = vector.shape_cast %get3A_679 : vector<1x16xf32> to vector<16xf32>
      %add3A_681 = arith.addf %get3A_676, %get3A_680 : vector<16xf32>
      %swap3A_682 = arith.index_cast %scan3A_43 : i32 to index
      %swap3A_683 = arith.constant 720 : index
      %swap3A_684 = tpu.vector_load %arg6[%swap3A_682, %swap3A_683] {strides = array<i32>} : memref<64x768xf32, #tpu.memory_space<vmem>>, vector<1x16xf32>,
      %swap3A_685 = vector.shape_cast %swap3A_684 : vector<1x16xf32> to vector<16xf32>
      %swap3A_686 = vector.shape_cast %add3A_681 : vector<16xf32> to vector<1x16xf32>
      tpu.vector_store %arg6[%swap3A_682, %swap3A_683], %swap3A_686 {strides = array<i32>} : memref<64x768xf32, #tpu.memory_space<vmem>>, vector<1x16xf32>,
      %get3A_687 = arith.index_cast %scan3A_43 : i32 to index
      %get3A_688 = arith.constant 736 : index
      %get3A_689 = tpu.vector_load %arg6[%get3A_687, %get3A_688] {strides = array<i32>} : memref<64x768xf32, #tpu.memory_space<vmem>>, vector<1x16xf32>,
      %get3A_690 = vector.shape_cast %get3A_689 : vector<1x16xf32> to vector<16xf32>
      %get3A_691 = arith.index_cast %scan3A_43 : i32 to index
      %get3A_692 = arith.constant 736 : index
      %get3A_693 = tpu.vector_load %arg7[%get3A_691, %get3A_692] {strides = array<i32>} : memref<64x768xf32, #tpu.memory_space<vmem>>, vector<1x16xf32>,
      %get3A_694 = vector.shape_cast %get3A_693 : vector<1x16xf32> to vector<16xf32>
      %add3A_695 = arith.addf %get3A_690, %get3A_694 : vector<16xf32>
      %swap3A_696 = arith.index_cast %scan3A_43 : i32 to index
      %swap3A_697 = arith.constant 736 : index
      %swap3A_698 = tpu.vector_load %arg6[%swap3A_696, %swap3A_697] {strides = array<i32>} : memref<64x768xf32, #tpu.memory_space<vmem>>, vector<1x16xf32>,
      %swap3A_699 = vector.shape_cast %swap3A_698 : vector<1x16xf32> to vector<16xf32>
      %swap3A_700 = vector.shape_cast %add3A_695 : vector<16xf32> to vector<1x16xf32>
      tpu.vector_store %arg6[%swap3A_696, %swap3A_697], %swap3A_700 {strides = array<i32>} : memref<64x768xf32, #tpu.memory_space<vmem>>, vector<1x16xf32>,
      %get3A_701 = arith.index_cast %scan3A_43 : i32 to index
      %get3A_702 = arith.constant 752 : index
      %get3A_703 = tpu.vector_load %arg6[%get3A_701, %get3A_702] {strides = array<i32>} : memref<64x768xf32, #tpu.memory_space<vmem>>, vector<1x16xf32>,
      %get3A_704 = vector.shape_cast %get3A_703 : vector<1x16xf32> to vector<16xf32>
      %get3A_705 = arith.index_cast %scan3A_43 : i32 to index
      %get3A_706 = arith.constant 752 : index
      %get3A_707 = tpu.vector_load %arg7[%get3A_705, %get3A_706] {strides = array<i32>} : memref<64x768xf32, #tpu.memory_space<vmem>>, vector<1x16xf32>,
      %get3A_708 = vector.shape_cast %get3A_707 : vector<1x16xf32> to vector<16xf32>
      %add3A_709 = arith.addf %get3A_704, %get3A_708 : vector<16xf32>
      %swap3A_710 = arith.index_cast %scan3A_43 : i32 to index
      %swap3A_711 = arith.constant 752 : index
      %swap3A_712 = tpu.vector_load %arg6[%swap3A_710, %swap3A_711] {strides = array<i32>} : memref<64x768xf32, #tpu.memory_space<vmem>>, vector<1x16xf32>,
      %swap3A_713 = vector.shape_cast %swap3A_712 : vector<1x16xf32> to vector<16xf32>
      %swap3A_714 = vector.shape_cast %add3A_709 : vector<16xf32> to vector<1x16xf32>
      tpu.vector_store %arg6[%swap3A_710, %swap3A_711], %swap3A_714 {strides = array<i32>} : memref<64x768xf32, #tpu.memory_space<vmem>>, vector<1x16xf32>,
      %scan3A_715 = arith.constant 0 : i32
      scf.yield %scan3A_715 : i32
    }
    %scan3A_32 = arith.constant 64 : i32
    %mul3A_33 = arith.constant 64 : i32
    %mul3A_34 = arith.muli %add3A, %mul3A_33 : i32
    %dma_start3A_35 = arith.constant 0 : i32
    %dma_start3A_36 = tpu.memref_slice %arg4[%mul3A_34, %dma_start3A_35] : memref<2048x768xf32, #tpu.memory_space<hbm>> -> memref<64x768xf32, #tpu.memory_space<hbm>>
    %dma_start3A_37 = arith.constant 0 : i32
    %dma_start3A_38 = tpu.memref_slice %arg4[%mul3A_34, %dma_start3A_37] : memref<2048x768xf32, #tpu.memory_space<hbm>> -> memref<64x768xf32, #tpu.memory_space<hbm>>
    tpu.enqueue_dma source(%arg6 : memref<64x768xf32, #tpu.memory_space<vmem>>) target(%dma_start3A_38 : memref<64x768xf32, #tpu.memory_space<hbm>>) target_semaphore(%arg10 : memref<!tpu.dma_semaphore, #tpu.memory_space<semaphore_mem>>)
    %dma_wait3A_39 = arith.constant 0 : i32
    %dma_wait3A_40 = tpu.memref_slice %arg4[%mul3A_34, %dma_wait3A_39] : memref<2048x768xf32, #tpu.memory_space<hbm>> -> memref<64x768xf32, #tpu.memory_space<hbm>>
    %dma_wait3A_41 = arith.constant 0 : i32
    %dma_wait3A_42 = tpu.memref_slice %arg4[%mul3A_34, %dma_wait3A_41] : memref<2048x768xf32, #tpu.memory_space<hbm>> -> memref<64x768xf32, #tpu.memory_space<hbm>>
    tpu.wait_dma2 semaphore(%arg10 : memref<!tpu.dma_semaphore, #tpu.memory_space<semaphore_mem>>) src(%arg6 : memref<64x768xf32, #tpu.memory_space<vmem>>) dst(%dma_wait3A_42 : memref<64x768xf32, #tpu.memory_space<hbm>>)
    return
  }
}

#map = affine_map<(d0, d1) -> (0, 0)>
#map1 = affine_map<(d0, d1) -> (0, 0, 0)>
module attributes {stable_mosaic.version = 14 : i64} {
  func.func @dispatch_k(%arg0: i32, %arg1: i32, %arg2: memref<2048x768xf32, #tpu.memory_space<hbm>>, %arg3: memref<32x2x64xi32, #tpu.memory_space<hbm>>, %arg4: memref<6144x768xf32, #tpu.memory_space<hbm>>, %arg5: memref<2x64xi32, #tpu.memory_space<vmem>>, %arg6: memref<64x768xf32, #tpu.memory_space<vmem>>, %arg7: memref<!tpu.dma_semaphore, #tpu.memory_space<semaphore_mem>>, %arg8: memref<!tpu.dma_semaphore, #tpu.memory_space<semaphore_mem>>) attributes {dimension_semantics = [#tpu.dimension_semantics<core_parallel>, #tpu.dimension_semantics<subcore_parallel>], iteration_bounds = array<i64: 2, 16>, scalar_prefetch = 0 : i64, scratch_operands = 4 : i64, tpu.core_type = #tpu.core_type<sc_vector_subcore>, window_params = [{transform_indices = #map}, {transform_indices = #map1}, {transform_indices = #map}]} {
    %mul3A = arith.constant 2 : i32
    %mul3A_0 = arith.muli %arg1, %mul3A : i32
    %add3A = arith.addi %mul3A_0, %arg0 : i32
    "tpu.region"() ({
      %run_scoped3A = tpu.sem_alloc : memref<!tpu.dma_semaphore, #tpu.memory_space<semaphore_mem>>
      %dma_start3A_37 = arith.constant 0 : i32
      %dma_start3A_38 = arith.constant 0 : i32
      %dma_start3A_39 = tpu.memref_slice %arg3[%add3A, %dma_start3A_37, %dma_start3A_38] : memref<32x2x64xi32, #tpu.memory_space<hbm>> -> memref<1x2x64xi32, #tpu.memory_space<hbm>>
      %dma_start3A_40 = tpu.memref_squeeze %dma_start3A_39 : memref<1x2x64xi32, #tpu.memory_space<hbm>> -> memref<2x64xi32, #tpu.memory_space<hbm>>
      %dma_start3A_41 = arith.constant 0 : i32
      %dma_start3A_42 = arith.constant 0 : i32
      %dma_start3A_43 = tpu.memref_slice %arg3[%add3A, %dma_start3A_41, %dma_start3A_42] : memref<32x2x64xi32, #tpu.memory_space<hbm>> -> memref<1x2x64xi32, #tpu.memory_space<hbm>>
      %dma_start3A_44 = tpu.memref_squeeze %dma_start3A_43 : memref<1x2x64xi32, #tpu.memory_space<hbm>> -> memref<2x64xi32, #tpu.memory_space<hbm>>
      tpu.enqueue_dma source(%dma_start3A_44 : memref<2x64xi32, #tpu.memory_space<hbm>>) target(%arg5 : memref<2x64xi32, #tpu.memory_space<vmem>>) target_semaphore(%run_scoped3A : memref<!tpu.dma_semaphore, #tpu.memory_space<semaphore_mem>>)
      %dma_wait3A_45 = arith.constant 0 : i32
      %dma_wait3A_46 = arith.constant 0 : i32
      %dma_wait3A_47 = tpu.memref_slice %arg3[%add3A, %dma_wait3A_45, %dma_wait3A_46] : memref<32x2x64xi32, #tpu.memory_space<hbm>> -> memref<1x2x64xi32, #tpu.memory_space<hbm>>
      %dma_wait3A_48 = tpu.memref_squeeze %dma_wait3A_47 : memref<1x2x64xi32, #tpu.memory_space<hbm>> -> memref<2x64xi32, #tpu.memory_space<hbm>>
      %dma_wait3A_49 = arith.constant 0 : i32
      %dma_wait3A_50 = arith.constant 0 : i32
      %dma_wait3A_51 = tpu.memref_slice %arg3[%add3A, %dma_wait3A_49, %dma_wait3A_50] : memref<32x2x64xi32, #tpu.memory_space<hbm>> -> memref<1x2x64xi32, #tpu.memory_space<hbm>>
      %dma_wait3A_52 = tpu.memref_squeeze %dma_wait3A_51 : memref<1x2x64xi32, #tpu.memory_space<hbm>> -> memref<2x64xi32, #tpu.memory_space<hbm>>
      tpu.wait_dma2 semaphore(%run_scoped3A : memref<!tpu.dma_semaphore, #tpu.memory_space<semaphore_mem>>) src(%dma_wait3A_52 : memref<2x64xi32, #tpu.memory_space<hbm>>) dst(%arg5 : memref<2x64xi32, #tpu.memory_space<vmem>>)
      tpu.yield
    }) : () -> ()
    %mul3A_1 = arith.constant 64 : i32
    %mul3A_2 = arith.muli %add3A, %mul3A_1 : i32
    %dma_start3A = arith.constant 0 : i32
    %dma_start3A_3 = tpu.memref_slice %arg2[%mul3A_2, %dma_start3A] : memref<2048x768xf32, #tpu.memory_space<hbm>> -> memref<64x768xf32, #tpu.memory_space<hbm>>
    %dma_start3A_4 = arith.constant 0 : i32
    %dma_start3A_5 = tpu.memref_slice %arg2[%mul3A_2, %dma_start3A_4] : memref<2048x768xf32, #tpu.memory_space<hbm>> -> memref<64x768xf32, #tpu.memory_space<hbm>>
    tpu.enqueue_dma source(%dma_start3A_5 : memref<64x768xf32, #tpu.memory_space<hbm>>) target(%arg6 : memref<64x768xf32, #tpu.memory_space<vmem>>) target_semaphore(%arg7 : memref<!tpu.dma_semaphore, #tpu.memory_space<semaphore_mem>>)
    %dma_wait3A = arith.constant 0 : i32
    %dma_wait3A_6 = tpu.memref_slice %arg2[%mul3A_2, %dma_wait3A] : memref<2048x768xf32, #tpu.memory_space<hbm>> -> memref<64x768xf32, #tpu.memory_space<hbm>>
    %dma_wait3A_7 = arith.constant 0 : i32
    %dma_wait3A_8 = tpu.memref_slice %arg2[%mul3A_2, %dma_wait3A_7] : memref<2048x768xf32, #tpu.memory_space<hbm>> -> memref<64x768xf32, #tpu.memory_space<hbm>>
    tpu.wait_dma2 semaphore(%arg7 : memref<!tpu.dma_semaphore, #tpu.memory_space<semaphore_mem>>) src(%dma_wait3A_8 : memref<64x768xf32, #tpu.memory_space<hbm>>) dst(%arg6 : memref<64x768xf32, #tpu.memory_space<vmem>>)
    %dma_start3A_9 = arith.constant 0 : i32
    %dma_start3A_10 = arith.constant 0 : i32
    %dma_start3A_11 = tpu.memref_slice %arg5[%dma_start3A_9, %dma_start3A_10] : memref<2x64xi32, #tpu.memory_space<vmem>> -> memref<1x64xi32, #tpu.memory_space<vmem>>
    %dma_start3A_12 = tpu.memref_squeeze %dma_start3A_11 : memref<1x64xi32, #tpu.memory_space<vmem>> -> memref<64xi32, #tpu.memory_space<vmem>>
    %dma_start3A_13 = arith.constant 0 : i32
    %dma_start3A_14 = arith.constant 0 : i32
    %dma_start3A_15 = tpu.memref_slice %arg4[%dma_start3A_13, %dma_start3A_14] : memref<6144x768xf32, #tpu.memory_space<hbm>> -> memref<6144x768xf32, #tpu.memory_space<hbm>>
    tpu.enqueue_indirect_dma source(%arg6 : memref<64x768xf32, #tpu.memory_space<vmem>>) target(%dma_start3A_15 : memref<6144x768xf32, #tpu.memory_space<hbm>>) offsets(%dma_start3A_12 : memref<64xi32, #tpu.memory_space<vmem>>) semaphore(%arg8 : memref<!tpu.dma_semaphore, #tpu.memory_space<semaphore_mem>>)
    %dma_start3A_16 = arith.constant 1 : i32
    %dma_start3A_17 = arith.constant 0 : i32
    %dma_start3A_18 = tpu.memref_slice %arg5[%dma_start3A_16, %dma_start3A_17] : memref<2x64xi32, #tpu.memory_space<vmem>> -> memref<1x64xi32, #tpu.memory_space<vmem>>
    %dma_start3A_19 = tpu.memref_squeeze %dma_start3A_18 : memref<1x64xi32, #tpu.memory_space<vmem>> -> memref<64xi32, #tpu.memory_space<vmem>>
    %dma_start3A_20 = arith.constant 0 : i32
    %dma_start3A_21 = arith.constant 0 : i32
    %dma_start3A_22 = tpu.memref_slice %arg4[%dma_start3A_20, %dma_start3A_21] : memref<6144x768xf32, #tpu.memory_space<hbm>> -> memref<6144x768xf32, #tpu.memory_space<hbm>>
    tpu.enqueue_indirect_dma source(%arg6 : memref<64x768xf32, #tpu.memory_space<vmem>>) target(%dma_start3A_22 : memref<6144x768xf32, #tpu.memory_space<hbm>>) offsets(%dma_start3A_19 : memref<64xi32, #tpu.memory_space<vmem>>) semaphore(%arg8 : memref<!tpu.dma_semaphore, #tpu.memory_space<semaphore_mem>>)
    %dma_wait3A_23 = arith.constant 0 : i32
    %dma_wait3A_24 = arith.constant 0 : i32
    %dma_wait3A_25 = tpu.memref_slice %arg5[%dma_wait3A_23, %dma_wait3A_24] : memref<2x64xi32, #tpu.memory_space<vmem>> -> memref<1x64xi32, #tpu.memory_space<vmem>>
    %dma_wait3A_26 = tpu.memref_squeeze %dma_wait3A_25 : memref<1x64xi32, #tpu.memory_space<vmem>> -> memref<64xi32, #tpu.memory_space<vmem>>
    %dma_wait3A_27 = arith.constant 0 : i32
    %dma_wait3A_28 = arith.constant 0 : i32
    %dma_wait3A_29 = tpu.memref_slice %arg4[%dma_wait3A_27, %dma_wait3A_28] : memref<6144x768xf32, #tpu.memory_space<hbm>> -> memref<6144x768xf32, #tpu.memory_space<hbm>>
    tpu.wait_indirect_dma semaphore(%arg8 : memref<!tpu.dma_semaphore, #tpu.memory_space<semaphore_mem>>) src(%arg6 : memref<64x768xf32, #tpu.memory_space<vmem>>) dst(%dma_wait3A_29 : memref<6144x768xf32, #tpu.memory_space<hbm>>)
    %dma_wait3A_30 = arith.constant 1 : i32
    %dma_wait3A_31 = arith.constant 0 : i32
    %dma_wait3A_32 = tpu.memref_slice %arg5[%dma_wait3A_30, %dma_wait3A_31] : memref<2x64xi32, #tpu.memory_space<vmem>> -> memref<1x64xi32, #tpu.memory_space<vmem>>
    %dma_wait3A_33 = tpu.memref_squeeze %dma_wait3A_32 : memref<1x64xi32, #tpu.memory_space<vmem>> -> memref<64xi32, #tpu.memory_space<vmem>>
    %dma_wait3A_34 = arith.constant 0 : i32
    %dma_wait3A_35 = arith.constant 0 : i32
    %dma_wait3A_36 = tpu.memref_slice %arg4[%dma_wait3A_34, %dma_wait3A_35] : memref<6144x768xf32, #tpu.memory_space<hbm>> -> memref<6144x768xf32, #tpu.memory_space<hbm>>
    tpu.wait_indirect_dma semaphore(%arg8 : memref<!tpu.dma_semaphore, #tpu.memory_space<semaphore_mem>>) src(%arg6 : memref<64x768xf32, #tpu.memory_space<vmem>>) dst(%dma_wait3A_36 : memref<6144x768xf32, #tpu.memory_space<hbm>>)
    return
  }
}

module attributes {stable_mosaic.version = 14 : i64} {
  func.func @_gate_body(%arg0: memref<2048x768xf32, #tpu.memory_space<vmem>>, %arg1: memref<768x8xf32, #tpu.memory_space<vmem>>, %arg2: memref<1x8xf32, #tpu.memory_space<vmem>>, %arg3: memref<2048x2xi32, #tpu.memory_space<vmem>>, %arg4: memref<2048x2xf32, #tpu.memory_space<vmem>>) attributes {dimension_semantics = [], scalar_prefetch = 0 : i64, scratch_operands = 0 : i64, tpu.core_type = #tpu.core_type<tc>} {
    %get3A = arith.constant 0 : index
    %get3A_0 = arith.constant 0 : index
    %get3A_1 = vector.load %arg0[%get3A, %get3A_0] : memref<2048x768xf32, #tpu.memory_space<vmem>>, vector<2048x768xf32>
    %get3A_2 = arith.constant 0 : index
    %get3A_3 = arith.constant 0 : index
    %get3A_4 = vector.load %arg1[%get3A_2, %get3A_3] : memref<768x8xf32, #tpu.memory_space<vmem>>, vector<768x8xf32>
    %dot_general3A = arith.constant dense<0.000000e+00> : vector<2048x8xf32>
    %dot_general3A_5 = tpu.matmul %get3A_1, %get3A_4, %dot_general3A {dimension_numbers = #tpu.dot_dimension_numbers<[1], [0], [0], [1], [0, 0, 1, 1], [], []>, transpose_lhs_hint = false} : vector<2048x768xf32>, vector<768x8xf32>, vector<2048x8xf32> -> vector<2048x8xf32>
    %get3A_6 = arith.constant 0 : index
    %get3A_7 = arith.constant 0 : index
    %get3A_8 = vector.load %arg2[%get3A_6, %get3A_7] : memref<1x8xf32, #tpu.memory_space<vmem>>, vector<1x8xf32>
    %add3A = vector.broadcast %get3A_8 : vector<1x8xf32> to vector<2048x8xf32>
    %add3A_9 = arith.addf %dot_general3A_5, %add3A : vector<2048x8xf32>
    %iota3A = tpu.iota {dimensions = array<i32: 1>} : vector<2048x8xi32>
    %reduce_max3A = arith.constant dense<0xFF800000> : vector<2048xf32>
    %reduce_max3A_10 = vector.multi_reduction <maximumf>, %add3A_9, %reduce_max3A [1] : vector<2048x8xf32> to vector<2048xf32>
    %broadcast_in_dim3A = vector.shape_cast %reduce_max3A_10 : vector<2048xf32> to vector<2048x1xf32>
    %argmax3A = tpu.reduce_index %add3A_9 {axis = 1 : i32, kind = #tpu.reduction_kind<arg_max>} : vector<2048x8xf32> -> vector<2048xi32>
    %broadcast_in_dim3A_11 = vector.shape_cast %argmax3A : vector<2048xi32> to vector<2048x1xi32>
    %eq3A = vector.broadcast %broadcast_in_dim3A_11 : vector<2048x1xi32> to vector<2048x8xi32>
    %eq3A_12 = arith.cmpi eq, %iota3A, %eq3A : vector<2048x8xi32>
    %jit3A = arith.constant 0xFF800000 : f32
    %broadcast_in_dim3A_13 = vector.broadcast %jit3A : f32 to vector<2048x8xf32>
    %select_n3A = arith.select %eq3A_12, %broadcast_in_dim3A_13, %add3A_9 : vector<2048x8xi1>, vector<2048x8xf32>
    %reduce_max3A_14 = arith.constant dense<0xFF800000> : vector<2048xf32>
    %reduce_max3A_15 = vector.multi_reduction <maximumf>, %select_n3A, %reduce_max3A_14 [1] : vector<2048x8xf32> to vector<2048xf32>
    %broadcast_in_dim3A_16 = vector.shape_cast %reduce_max3A_15 : vector<2048xf32> to vector<2048x1xf32>
    %argmax3A_17 = tpu.reduce_index %select_n3A {axis = 1 : i32, kind = #tpu.reduction_kind<arg_max>} : vector<2048x8xf32> -> vector<2048xi32>
    %broadcast_in_dim3A_18 = vector.shape_cast %argmax3A_17 : vector<2048xi32> to vector<2048x1xi32>
    %sub3A = arith.subf %broadcast_in_dim3A_16, %broadcast_in_dim3A : vector<2048x1xf32>
    %exp3A = math.exp %sub3A : vector<2048x1xf32>
    %add3A_19 = arith.constant 1.000000e+00 : f32
    %add3A_20 = vector.broadcast %add3A_19 : f32 to vector<2048x1xf32>
    %add3A_21 = arith.addf %add3A_20, %exp3A : vector<2048x1xf32>
    %div3A = arith.constant 1.000000e+00 : f32
    %div3A_22 = vector.broadcast %div3A : f32 to vector<2048x1xf32>
    %div3A_23 = arith.divf %div3A_22, %add3A_21 : vector<2048x1xf32>
    %add3A_24 = arith.constant 1.000000e+00 : f32
    %add3A_25 = vector.broadcast %add3A_24 : f32 to vector<2048x1xf32>
    %add3A_26 = arith.addf %add3A_25, %exp3A : vector<2048x1xf32>
    %div3A_27 = arith.divf %exp3A, %add3A_26 : vector<2048x1xf32>
    %concatenate3A = tpu.concatenate %broadcast_in_dim3A_11, %broadcast_in_dim3A_18 in 1 : vector<2048x1xi32>, vector<2048x1xi32> -> vector<2048x2xi32>
    %swap3A = arith.constant 0 : index
    %swap3A_28 = arith.constant 0 : index
    %swap3A_29 = vector.load %arg3[%swap3A, %swap3A_28] : memref<2048x2xi32, #tpu.memory_space<vmem>>, vector<2048x2xi32>
    tpu.vector_store %arg3[%swap3A, %swap3A_28], %concatenate3A {strides = array<i32>} : memref<2048x2xi32, #tpu.memory_space<vmem>>, vector<2048x2xi32>,
    %concatenate3A_30 = tpu.concatenate %div3A_23, %div3A_27 in 1 : vector<2048x1xf32>, vector<2048x1xf32> -> vector<2048x2xf32>
    %swap3A_31 = arith.constant 0 : index
    %swap3A_32 = arith.constant 0 : index
    %swap3A_33 = vector.load %arg4[%swap3A_31, %swap3A_32] : memref<2048x2xf32, #tpu.memory_space<vmem>>, vector<2048x2xf32>
    tpu.vector_store %arg4[%swap3A_31, %swap3A_32], %concatenate3A_30 {strides = array<i32>} : memref<2048x2xf32, #tpu.memory_space<vmem>>, vector<2048x2xf32>,
    return
  }
}

module attributes {stable_mosaic.version = 14 : i64} {
  func.func @_ffn_body(%arg0: i32, %arg1: memref<24xi32, #tpu.memory_space<smem>>, %arg2: memref<24xi32, #tpu.memory_space<smem>>, %arg3: memref<256x768xf32, #tpu.memory_space<vmem>>, %arg4: memref<1x768x2048xf32, #tpu.memory_space<vmem>>, %arg5: memref<1x1x2048xf32, #tpu.memory_space<vmem>>, %arg6: memref<1x2048x768xf32, #tpu.memory_space<vmem>>, %arg7: memref<1x1x768xf32, #tpu.memory_space<vmem>>, %arg8: memref<256x1xf32, #tpu.memory_space<vmem>>, %arg9: memref<256x768xf32, #tpu.memory_space<vmem>>) attributes {dimension_semantics = [#tpu.dimension_semantics<arbitrary>], iteration_bounds = array<i64: 24>, scalar_prefetch = 2 : i64, scratch_operands = 0 : i64, tpu.core_type = #tpu.core_type<tc>, window_params = [{transform_indices = @transform_0, window_bounds = array<i64: 256, 768>}, {transform_indices = @transform_1, window_bounds = array<i64: 1, 768, 2048>}, {transform_indices = @transform_2, window_bounds = array<i64: 1, 1, 2048>}, {transform_indices = @transform_3, window_bounds = array<i64: 1, 2048, 768>}, {transform_indices = @transform_4, window_bounds = array<i64: 1, 1, 768>}, {transform_indices = @transform_5, window_bounds = array<i64: 256, 1>}, {transform_indices = @transform_6, window_bounds = array<i64: 256, 768>}]} {
    %get3A = arith.index_cast %arg0 : i32 to index
    %get3A_0 = memref.load %arg2[%get3A] : memref<24xi32, #tpu.memory_space<smem>>
    %eq3A = arith.constant 1 : i32
    %eq3A_1 = arith.cmpi eq, %get3A_0, %eq3A : i32
    %convert_element_type3A = arith.extui %eq3A_1 : i1 to i32
    %cond3A = arith.constant 0 : i32
    %cond3A_2 = arith.cmpi ne, %convert_element_type3A, %cond3A : i32
    scf.if %cond3A_2 {
      %get3A_3 = arith.constant 0 : index
      %get3A_4 = arith.constant 0 : index
      %get3A_5 = vector.load %arg3[%get3A_3, %get3A_4] : memref<256x768xf32, #tpu.memory_space<vmem>>, vector<256x768xf32>
      %get3A_6 = arith.constant 0 : index
      %get3A_7 = arith.constant 0 : index
      %get3A_8 = arith.constant 0 : index
      %get3A_9 = vector.load %arg4[%get3A_6, %get3A_7, %get3A_8] : memref<1x768x2048xf32, #tpu.memory_space<vmem>>, vector<1x768x2048xf32>
      %get3A_10 = vector.shape_cast %get3A_9 : vector<1x768x2048xf32> to vector<768x2048xf32>
      %dot_general3A = arith.constant dense<0.000000e+00> : vector<256x2048xf32>
      %dot_general3A_11 = tpu.matmul %get3A_5, %get3A_10, %dot_general3A {dimension_numbers = #tpu.dot_dimension_numbers<[1], [0], [0], [1], [0, 0, 1, 1], [], []>, transpose_lhs_hint = false} : vector<256x768xf32>, vector<768x2048xf32>, vector<256x2048xf32> -> vector<256x2048xf32>
      %get3A_12 = arith.constant 0 : index
      %get3A_13 = arith.constant 0 : index
      %get3A_14 = arith.constant 0 : index
      %get3A_15 = vector.load %arg5[%get3A_12, %get3A_13, %get3A_14] : memref<1x1x2048xf32, #tpu.memory_space<vmem>>, vector<1x1x2048xf32>
      %get3A_16 = vector.shape_cast %get3A_15 : vector<1x1x2048xf32> to vector<1x2048xf32>
      %add3A = vector.broadcast %get3A_16 : vector<1x2048xf32> to vector<256x2048xf32>
      %add3A_17 = arith.addf %dot_general3A_11, %add3A : vector<256x2048xf32>
      %max3A = arith.constant 0.000000e+00 : f32
      %max3A_18 = vector.broadcast %max3A : f32 to vector<256x2048xf32>
      %max3A_19 = arith.maximumf %add3A_17, %max3A_18 : vector<256x2048xf32>
      %get3A_20 = arith.constant 0 : index
      %get3A_21 = arith.constant 0 : index
      %get3A_22 = arith.constant 0 : index
      %get3A_23 = vector.load %arg6[%get3A_20, %get3A_21, %get3A_22] : memref<1x2048x768xf32, #tpu.memory_space<vmem>>, vector<1x2048x768xf32>
      %get3A_24 = vector.shape_cast %get3A_23 : vector<1x2048x768xf32> to vector<2048x768xf32>
      %dot_general3A_25 = arith.constant dense<0.000000e+00> : vector<256x768xf32>
      %dot_general3A_26 = tpu.matmul %max3A_19, %get3A_24, %dot_general3A_25 {dimension_numbers = #tpu.dot_dimension_numbers<[1], [0], [0], [1], [0, 0, 1, 1], [], []>, transpose_lhs_hint = false} : vector<256x2048xf32>, vector<2048x768xf32>, vector<256x768xf32> -> vector<256x768xf32>
      %get3A_27 = arith.constant 0 : index
      %get3A_28 = arith.constant 0 : index
      %get3A_29 = arith.constant 0 : index
      %get3A_30 = vector.load %arg7[%get3A_27, %get3A_28, %get3A_29] : memref<1x1x768xf32, #tpu.memory_space<vmem>>, vector<1x1x768xf32>
      %get3A_31 = vector.shape_cast %get3A_30 : vector<1x1x768xf32> to vector<1x768xf32>
      %add3A_32 = vector.broadcast %get3A_31 : vector<1x768xf32> to vector<256x768xf32>
      %add3A_33 = arith.addf %dot_general3A_26, %add3A_32 : vector<256x768xf32>
      %get3A_34 = arith.constant 0 : index
      %get3A_35 = arith.constant 0 : index
      %get3A_36 = vector.load %arg8[%get3A_34, %get3A_35] : memref<256x1xf32, #tpu.memory_space<vmem>>, vector<256x1xf32>
      %mul3A = vector.broadcast %get3A_36 : vector<256x1xf32> to vector<256x768xf32>
      %mul3A_37 = arith.mulf %add3A_33, %mul3A : vector<256x768xf32>
      %swap3A = arith.constant 0 : index
      %swap3A_38 = arith.constant 0 : index
      %swap3A_39 = vector.load %arg9[%swap3A, %swap3A_38] : memref<256x768xf32, #tpu.memory_space<vmem>>, vector<256x768xf32>
      tpu.vector_store %arg9[%swap3A, %swap3A_38], %mul3A_37 {strides = array<i32>} : memref<256x768xf32, #tpu.memory_space<vmem>>, vector<256x768xf32>,
    } else {
    }
    return
  }
  func.func @transform_0(%arg0: i32, %arg1: memref<24xi32, #tpu.memory_space<smem>>, %arg2: memref<24xi32, #tpu.memory_space<smem>>) -> (i32, i32) {
    %c0_i32 = arith.constant 0 : i32
    %c0_i32_0 = arith.constant 0 : i32
    return %arg0, %c0_i32 : i32, i32
  }
  func.func @transform_1(%arg0: i32, %arg1: memref<24xi32, #tpu.memory_space<smem>>, %arg2: memref<24xi32, #tpu.memory_space<smem>>) -> (i32, i32, i32) {
    %get3A = arith.index_cast %arg0 : i32 to index
    %get3A_0 = memref.load %arg1[%get3A] : memref<24xi32, #tpu.memory_space<smem>>
    %c0_i32 = arith.constant 0 : i32
    %c0_i32_1 = arith.constant 0 : i32
    %c0_i32_2 = arith.constant 0 : i32
    return %get3A_0, %c0_i32, %c0_i32_1 : i32, i32, i32
  }
  func.func @transform_2(%arg0: i32, %arg1: memref<24xi32, #tpu.memory_space<smem>>, %arg2: memref<24xi32, #tpu.memory_space<smem>>) -> (i32, i32, i32) {
    %get3A = arith.index_cast %arg0 : i32 to index
    %get3A_0 = memref.load %arg1[%get3A] : memref<24xi32, #tpu.memory_space<smem>>
    %c0_i32 = arith.constant 0 : i32
    %c0_i32_1 = arith.constant 0 : i32
    %c0_i32_2 = arith.constant 0 : i32
    return %get3A_0, %c0_i32, %c0_i32_1 : i32, i32, i32
  }
  func.func @transform_3(%arg0: i32, %arg1: memref<24xi32, #tpu.memory_space<smem>>, %arg2: memref<24xi32, #tpu.memory_space<smem>>) -> (i32, i32, i32) {
    %get3A = arith.index_cast %arg0 : i32 to index
    %get3A_0 = memref.load %arg1[%get3A] : memref<24xi32, #tpu.memory_space<smem>>
    %c0_i32 = arith.constant 0 : i32
    %c0_i32_1 = arith.constant 0 : i32
    %c0_i32_2 = arith.constant 0 : i32
    return %get3A_0, %c0_i32, %c0_i32_1 : i32, i32, i32
  }
  func.func @transform_4(%arg0: i32, %arg1: memref<24xi32, #tpu.memory_space<smem>>, %arg2: memref<24xi32, #tpu.memory_space<smem>>) -> (i32, i32, i32) {
    %get3A = arith.index_cast %arg0 : i32 to index
    %get3A_0 = memref.load %arg1[%get3A] : memref<24xi32, #tpu.memory_space<smem>>
    %c0_i32 = arith.constant 0 : i32
    %c0_i32_1 = arith.constant 0 : i32
    %c0_i32_2 = arith.constant 0 : i32
    return %get3A_0, %c0_i32, %c0_i32_1 : i32, i32, i32
  }
  func.func @transform_5(%arg0: i32, %arg1: memref<24xi32, #tpu.memory_space<smem>>, %arg2: memref<24xi32, #tpu.memory_space<smem>>) -> (i32, i32) {
    %c0_i32 = arith.constant 0 : i32
    %c0_i32_0 = arith.constant 0 : i32
    return %arg0, %c0_i32 : i32, i32
  }
  func.func @transform_6(%arg0: i32, %arg1: memref<24xi32, #tpu.memory_space<smem>>, %arg2: memref<24xi32, #tpu.memory_space<smem>>) -> (i32, i32) {
    %c0_i32 = arith.constant 0 : i32
    %c0_i32_0 = arith.constant 0 : i32
    return %arg0, %c0_i32 : i32, i32
  }
}

</mosaic_0001>

<sc_bundles>
// kernel: kernel.6.cloned.1.call-start
scs
__scs_entry_jumppad:
0x0: {  	(pc) =	sbr.rel $0x88, $3  }
0x1: {  	(tag) =	ssettag $0x0;
	lr =	simm.s32 $0x1  }
0x2: {  	[smem:$0x3F9A] =	sst lr;
	_ =	strace $0xD0000000  }
0x3: {  	_ = 	snop  }
0x4: {  	_ = 	snop  }
0x5: {  	_ = 	snop  }
0x6: {  	_ = 	snop  }
0x7: {  	_ = 	snop  }
__scs_overlays_trampoline_lowered:
0x8: {  	[smem:$0x3FA9] =	sst s0  }
0x9: {  	[smem:$0x3FAA] =	sst s1  }
0xa: {  	[smem:$0x3FAB] =	sst s2  }
0xb: {  	[smem:$0x3FAC] =	sst s3  }
0xc: {  	[smem:$0x3FAD] =	sst s4  }
0xd: {  	[smem:$0x3FAE] =	sst s5  }
0xe: {  	[smem:$0x3FAF] =	sst s6  }
0xf: {  	[smem:$0x3FB0] =	sst s7  }
0x10: {  	[smem:$0x3FB1] =	sst s8  }
0x11: {  	[smem:$0x3FB2] =	sst s9;
	s0 =	simm.s32 @!p0 $0x0  }
0x12: {  	s1 =	sld [smem:$0x3F98];
	s0 =	simm.s32 @p0 $0x1  }
0x13: {  	[smem:$0x3FB3] =	sst s0;
	s0 =	simm.s32 @!p1 $0x0  }
0x14: {  	s2 =	sld [smem:$0x3F97];
	s0 =	simm.s32 @p1 $0x1  }
0x15: {  	[smem:$0x3FB4] =	sst s0;
	s0 =	simm.s32 @!p2 $0x0  }
0x16: {  	s3 =	sld [smem:$0x3FDB];
	s0 =	simm.s32 @p2 $0x1  }
0x17: {  	s4 =	simm.s32 $0x1BF5;
	[smem:$0x3FB6] =	sst s0  }
0x18: {  	s0 =	sld [smem:$0x3F99];
	_ =	swait.ge [sflag:s4], $0x0  }
0x19: {  	s7 =	sld [smem:$0x3F9A]  }
0x1a: {  	s8 =	sadd.s32 $0xFFFFE003, lr  }
0x1b: {  	s9 =	sadd.s32 $0xFFFFFEF7, lr;
	s5 =	simm.s32 $0xFFFFFFFF;
	p2 =	slt.u32 s8, $0xFFFFF086  }
0x1c: {  	p1 =	slt.u32 s9, $0xF7A;
	s5 =	simm.s32 @!p2 $0x0  }
0x1d: {  	s5 =	simm.s32 @p1 $0x1;
	p0 =	seq.s32 s7, s2  }
0x1e: {  	s7 =	smul.u32 @!p0 $0xF7A, s2;
	p2 =	seq.s32 @!p0 s5, $0x0  }
0x1f: {  	s9 =	smul.u32 $0xF7A, s1;
	s8 =	simm.s32 @!p0 $0x1BF5;
	p2 =	por !p2, p0  }
0x20: {  	[sflag:s8] =	ssyncset.s32 @!p0 $0xFFFFF086;
	s6 =	sadd.s32 @!p0 s3, s7;
	s7 =	simm.s32 @!p0 $0x108  }
0x21: {  	s3 =	sadd.s32 s3, s9;
	s6 =	sadd.s32 @!p0 $0x88, s6;
	s7 =	simm.s32 @p2 $0x1082  }
0x22: {  	[simem:s7], [sflag:s8] =	dma.local @!p0 [hbm:s6], $0xF7A  }
0x23: {  	s9 =	sor.u32 $0xD0000000, s2;
	s6 =	simm.s32 $0x108;
	_ =	swait.ge @!p0 [sflag:s8], $0x0  }
0x24: {  	s3 =	sadd.s32 $0x88, s3;
	s6 =	simm.s32 @!p1 $0x1082;
	[sflag:s4] =	ssyncset.s32 $0xFFFFF086  }
0x25: {  	[simem:s6], [sflag:s4] =	dma.local [hbm:s3], $0xF7A  }
0x26: {  	[smem:$0x3F9A] =	sst s1;
	(tag) =	ssettag s2;
	_ =	strace s9  }
0x27: {  	s1 =	sld [smem:$0x3FAA]  }
0x28: {  	s2 =	sld [smem:$0x3FAB]  }
0x29: {  	s4 =	sld [smem:$0x3FAD]  }
0x2a: {  	p0 =	seq.s32 s5, $0x0;
	s5 =	sld [smem:$0x3FAE]  }
0x2b: {  	s6 =	sld [smem:$0x3FAF]  }
0x2c: {  	s7 =	sld [smem:$0x3FB0]  }
0x2d: {  	s3 =	simm.s32 $0x108;
	s8 =	sld [smem:$0x3FB1]  }
0x2e: {  	s3 =	simm.s32 @!p0 $0x1082;
	s9 =	sld [smem:$0x3FB2]  }
0x2f: {  	lr =	sadd.s32 s0, s3;
	s0 =	sld [smem:$0x3FA9]  }
0x30: {  	s3 =	sld [smem:$0x3FAC]  }
0x31: {  	[smem:$0x3FB5] =	sst s10  }
0x32: {  	s10 =	sld [smem:$0x3FB3];
	_ =	sdelay $0x3  }
0x33: {  	p0 =	seq.s32 s10, $0x1;
	s10 =	sld [smem:$0x3FB5];
	_ =	sdelay $0x3  }
0x34: {  	[smem:$0x3FB5] =	sst s10  }
0x35: {  	s10 =	sld [smem:$0x3FB4];
	_ =	sdelay $0x3  }
0x36: {  	p1 =	seq.s32 s10, $0x1;
	s10 =	sld [smem:$0x3FB5];
	_ =	sdelay $0x3  }
0x37: {  	[smem:$0x3FB5] =	sst s10  }
0x38: {  	s10 =	sld [smem:$0x3FB6]  }
0x39: {  	_ = 	snop;
	(pc) =	sbr.ind lr, $3  }
0x3a: {  	_ = 	snop  }
0x3b: {  	_ = 	snop  }
0x3c: {  	p2 =	seq.s32 s10, $0x1;
	s10 =	sld [smem:$0x3FB5]  }
0x3d: {  	_ =	shalt  }
0x3e: {  	_ =	shalt  }
0x3f: {  	_ =	shalt  }
0x40: {  	_ =	shalt  }
0x41: {  	_ =	shalt  }
0x42: {  	_ =	shalt  }
0x43: {  	_ =	shalt  }
0x44: {  	_ =	shalt  }
0x45: {  	_ =	shalt  }
0x46: {  	_ =	shalt  }
0x47: {  	_ =	shalt  }
0x48: {  	_ =	shalt  }
0x49: {  	_ =	shalt  }
0x4a: {  	_ =	shalt  }
0x4b: {  	_ =	shalt  }
0x4c: {  	_ =	shalt  }
0x4d: {  	_ =	shalt  }
0x4e: {  	_ =	shalt  }
0x4f: {  	_ =	shalt  }
0x50: {  	_ =	shalt  }
0x51: {  	_ =	shalt  }
0x52: {  	_ =	shalt  }
0x53: {  	_ =	shalt  }
0x54: {  	_ =	shalt  }
0x55: {  	_ =	shalt  }
0x56: {  	_ =	shalt  }
0x57: {  	_ =	shalt  }
0x58: {  	_ =	shalt  }
0x59: {  	_ =	shalt  }
0x5a: {  	_ =	shalt  }
0x5b: {  	_ =	shalt  }
0x5c: {  	_ =	shalt  }
0x5d: {  	_ =	shalt  }
0x5e: {  	_ =	shalt  }
0x5f: {  	_ =	shalt  }
0x60: {  	_ =	shalt  }
0x61: {  	_ =	shalt  }
0x62: {  	_ =	shalt  }
0x63: {  	_ =	shalt  }
0x64: {  	_ =	shalt  }
0x65: {  	_ =	shalt  }
0x66: {  	_ =	shalt  }
0x67: {  	_ =	shalt  }
0x68: {  	_ =	shalt  }
0x69: {  	_ =	shalt  }
0x6a: {  	_ =	shalt  }
0x6b: {  	_ =	shalt  }
0x6c: {  	_ =	shalt  }
0x6d: {  	_ =	shalt  }
0x6e: {  	_ =	shalt  }
0x6f: {  	_ =	shalt  }
0x70: {  	_ =	shalt  }
0x71: {  	_ =	shalt  }
0x72: {  	_ =	shalt  }
0x73: {  	_ =	shalt  }
0x74: {  	_ =	shalt  }
0x75: {  	_ =	shalt  }
0x76: {  	_ =	shalt  }
0x77: {  	_ =	shalt  }
0x78: {  	_ =	shalt  }
0x79: {  	_ =	shalt  }
0x7a: {  	_ =	shalt  }
0x7b: {  	_ =	shalt  }
0x7c: {  	_ =	shalt  }
0x7d: {  	_ =	shalt  }
0x7e: {  	_ =	shalt  }
0x7f: {  	_ =	shalt  }
0x80: {  	_ =	shalt  }
0x81: {  	_ =	shalt  }
0x82: {  	_ =	shalt  }
0x83: {  	_ =	shalt  }
0x84: {  	_ =	shalt  }
0x85: {  	_ =	shalt  }
0x86: {  	_ =	shalt  }
0x87: {  	_ =	shalt  }
.Lfunc_end0:
.L_simem_size_0:
called_computation_lowered:
.L_overlay_start_0:
0x88: {  	s2 =	sld [smem:$0x3FD9]  }
0x89: {  	s3 =	sld [smem:$0x3FFE];
	_ =	sdelay $0x1  }
0x8a: {  	s1 =	srdreg.scid  }
0x8b: {  	s0 =	sand.u32 $0x1, s1  }
0x8c: {  	s17 =	sshll.u32 s0, $0xA;
	s2 =	sadd.s32 s3, s2  }
0x8d: {  	s2 =	sadd.s32 s2, s17  }
0x8e: {  	[smem:$0x3FC1] =	sst s2  }
0x8f: {  	_ = 	snop  }
0x90: {  	s2 =	sld [smem:$0x3FC9];
	(tm) =	ssettm $0x1  }
0x91: {  	s18 =	sld [smem:$0x3FFB];
	_ =	sdelay $0x3  }
0x92: {  	_ =	strace s18  }
0x93: {  	s3 =	sld [smem:$0x3FFC];
	_ =	sdelay $0x3  }
0x94: {  	_ =	strace s3  }
0x95: {  	s3 =	sld [smem:$0x3FFD];
	_ =	sdelay $0x3  }
0x96: {  	_ =	strace s3  }
0x97: {  	_ =	strace $0x8FFFFFFF  }
0x98: {  	s19 =	sld [smem:$0x3FDB];
	_ =	sdelay $0x1  }
0x99: {  	s4 =	simm.s32 $_scs_section_size  }
0x9a: {  	s5 =	simm.s32 $_size__tile_overlayer_lowered;
	s6 =	simm.s32 $_tile_overlayer_lowered  }
0x9b: {  	s22 =	simm.s32 $0x1BFF;
	s21 =	sshll.u32 s6, $0x1;
	s3 =	sadd.s32 s4, s19  }
0x9c: {  	s7 =	simm.s32 $0x0;
	s20 =	sshll.u32 s5, $0x1;
	s5 =	sadd.s32 s21, s3  }
0x9d: {  	[timem:s7], [sflag:s22] =	dma.local [hbm:s5], s20  }
0x9e: {  	_ =	swait.ge [sflag:s22], s20  }
0x9f: {  	s4 =	ssub.s32 $0x0, s20;
	[sflag:s22] =	ssyncset.done $0x0  }
0xa0: {  	[sflag:s22] =	ssyncadd.s32 s4;
	_ =	sdelay $0x1  }
0xa1: {  	s23 =	simm.s32 $0x1B8B  }
0xa2: {  	_ =	swait.ge [sflag:s23], $0x1  }
0xa3: {  	[sflag:s23] =	ssyncset.done $0x0  }
0xa4: {  	s25 =	simm.s32 $0x1B8E;
	s24 =	sld [smem:$0x3FFE];
	[sflag:s23] =	ssyncadd.s32 $0xFFFFFFFF  }
0xa5: {  	s26 =	simm.s32 $execute0_lowered;
	[smem:$0x3FD2] =	sst s25  }
0xa6: {  	s5 =	sshll.u32 s26, $0x1;
	_ =	strace $0x80000046;
	[dreg:$0x1] =	wrdreg $0xFFFFFFFF  }
0xa7: {  	s28 =	simm.s32 $_size_execute0_lowered;
	s3 =	sadd.s32 s3, s5;
	[dreg:$0x0] =	wrdreg $0x0  }
0xa8: {  	s5 =	sshll.u32 s28, $0x1;
	[dreg:$0x2] =	wrdreg s3  }
0xa9: {  	[dreg:$0x3] =	wrdreg s5  }
0xaa: {  	[dreg:$0x4] =	wrdreg $0xC0  }
0xab: {  	_ =	task [dreg:s7], $0x5FFFF  }
0xac: {  	[dreg:$0x1] =	wrdreg $0xFFFFFFFF  }
0xad: {  	[dreg:$0x0] =	wrdreg $0x60  }
0xae: {  	[dreg:$0x2] =	wrdreg s2  }
0xaf: {  	[dreg:$0x3] =	wrdreg s24  }
0xb0: {  	[dreg:$0x4] =	wrdreg $0x9  }
0xb1: {  	_ =	task.clear_ibuf [dreg:s7], $0x5FFFF;
	_ =	strace $0x90000046  }
0xb2: {  	s29 =	simm.s32 $0x9;
	_ =	strace $0x80000048  }
0xb3: {  	_ =	swait.ge [sflag:s29], $0x1  }
0xb4: {  	[sflag:s29] =	ssyncadd.s32 $0xFFFFFFFF  }
0xb5: {  	_ =	strace $0x90000048  }
0xb6: {  	_ =	sfence  }
0xb7: {  	s30 =	sld [smem:$0x0];
	_ =	sdelay $0x2  }
0xb8: {  	s31 =	sshll.u32 s1, $0xD;
	s1 =	sshrl.u32 s1, $0x2  }
0xb9: {  	s3 =	sand.u32 $0x4000, s31;
	s1 =	sadd.s32 s1, s30  }
0xba: {  	s0 =	sor.u32 s3, s0;
	s1 =	sshll.u32 s1, $0x11  }
0xbb: {  	s0 =	sor.u32 s1, s0  }
0xbc: {  	s0 =	sadd.s32 $0x8F2B, s0  }
0xbd: {  	[sflag:s0] =	ssyncadd.remote.s32 $0x1  }
0xbe: {  	_ =	sfence.sel $0xFFFF  }
0xbf: {  	[dreg:$0x0] =	wrdreg $0xFFFFFFFF;
	(pc) =	sbr.abs _section_cstart, $3  }
0xc0: {  	[dreg:$0x1] =	wrdreg $0xFFFFFFFF  }
0xc1: {  	_ =	task.clear_ibuf [dreg:s7], $0x2FFFF;
	_ =	strace $0x9FFFFFFF  }
0xc2: {  	(tm) =	ssettm $0x7FFFFFFF  }
0xc3: {  	_ =	shalt  }
tec
execute0_lowered:
.L_overlay_start_1:
0x0: {  	(tag) =	ssettag $0x1  }
0x1: {  	s0 =	rddreg [dreg:$0x0];
	s1 =	srdreg.scid  }
0x2: {  	s2 =	stileid.u32;
	s5 =	rddreg [dreg:$0x1];
	s8 =	simm.s32 $0x100  }
0x3: {  	s9 =	simm.s32 $0x1;
	s10 =	simm.s32 $0x2;
	s12 =	simm.s32 $0x1100  }
0x4: {  	s13 =	simm.s32 $0x1900;
	s14 =	simm.s32 $0x2100;
	s15 =	simm.s32 $0x2900  }
0x5: {  	s16 =	simm.s32 $0x3100;
	s17 =	simm.s32 $0x3900;
	s18 =	simm.s32 $0x4100  }
0x6: {  	s19 =	simm.s32 $0x4900;
	s20 =	simm.s32 $0x5100;
	s21 =	simm.s32 $0x5900  }
0x7: {  	s22 =	simm.s32 $0x6100;
	s23 =	simm.s32 $0x6900;
	s24 =	simm.s32 $0x7100  }
0x8: {  	s25 =	simm.s32 $0x7900;
	s26 =	simm.s32 $0x8100;
	s28 =	simm.s32 $0x8900  }
0x9: {  	s29 =	simm.s32 $0x9100;
	s30 =	simm.s32 $0x9900;
	s31 =	simm.s32 $0xA100  }
0xa: {  	s1 =	sand.u32 $0x1, s1;
	s3 =	sshll.u32 s2, $0x1;
	s2 =	simm.s32 $0x0  }
0xb: {  	s7 =	simm.s32 $0xB900;
	s3 =	sor.u32 s1, s3;
	[smem:$0x7FF] =	sst s2  }
0xc: {  	s1 =	ssub.s32 $0x2, s1;
	s4 =	sshll.u32 s3, $0x5;
	s3 =	smul.u32 $0x1800, s3  }
0xd: {  	_ =	strace $0x80000047;
	s6 =	sshrl.u32 s1, $0x1;
	s4 =	sadd.s32 s5, s4  }
0xe: {  	v2 =	vlaneseq.u32;
	s1 =	ssub.s32 s1, s6;
	[dreg:$0x3] =	wrdreg s4;
	s0 =	sadd.s32 s0, s3  }
0xf: {  	vm0 =	vmmov $0xffff;
	v1 =	vshrl.u32 v2, $0x3;
	s3 =	sadd.s32 $0x400, s5;
	s4 =	sadd.s32 $0x500, s5;
	s5 =	sadd.s32 $0x600, s5  }
0x10: {  	v0 =	vand.u32 $0x7, v2;
	v2 =	vor.u32 $0x8, v2;
	v1 =	vmul.u32 $0x8, v1;
	s6 =	smax.u32 s1, $0x1;
	s1 =	simm.s32 $0xA900;
	[dreg:$0x4] =	wrdreg s0  }
.LBB2_1:
0x11: {  	s11 =	rddreg [dreg:$0x3];
	s0 =	simm.s32 $0x3  }
0x12: {  	[tilespmem:s2], [sflag:$0x3] =	stream.linear.gather [hbm4b:s11+s2], $0x100, $0x38;
	[tilespmem:$0xC100] =	vst v63  }
0x13: {  	_ =	swait.ge [sflag:s0], $0x100  }
0x14: {  	[sflag:s0] =	ssyncset.done $0x0  }
0x15: {  	s11 =	rddreg [dreg:$0x4];
	[sflag:s0] =	ssyncadd.s32 $0xFFFFFF00  }
0x16: {  	[tilespmem:s8], [sflag:$0x1] =	stream.linear.gather [hbm4b:s11+s2], $0xC000, $0x38;
	[tilespmem:$0xC100] =	vst v63  }
0x17: {  	_ =	swait.ge [sflag:s9], $0xC000  }
0x18: {  	[sflag:s9] =	ssyncset.done $0x0  }
0x19: {  	[sflag:s9] =	ssyncadd.s32 $0xFFFF4000  }
0x1a: {  	v3 =	vld [tilespmem:$0x0];
	_ =	sdelay $0x4  }
0x1b: {  	v4 =	vshrl.u32 v3, $0x3  }
0x1c: {  	v4 =	vmul.u32 $0x30, v4  }
0x1d: {  	v3 =	vand.u32 $0x7, v3  }
0x1e: {  	v3 =	vor.u32 v3, v4  }
0x1f: {  	v4 =	vperm.xlane v3, v0;
	_ =	sdelay $0x1  }
0x20: {  	v4 =	vadd.s32 v1, v4;
	_ =	sdelay $0x3  }
0x21: {  	v3 =	vperm.xlane v3, v2  }
0x22: {  	[hbm4b:s3+s2] =	stream.indirect_vreg.scatter [tilespmem:s8], [sflag:$0x2], $0x80, v4, vm0, $0xb8;
	[tilespmem:$0xC100] =	vst v63  }
0x23: {  	s11 =	simm.s32 $0x900;
	v3 =	vadd.s32 v1, v3  }
0x24: {  	[hbm4b:s4+s2] =	stream.indirect_vreg.scatter [tilespmem:s11], [sflag:$0x2], $0x80, v4, vm0, $0xb8;
	[tilespmem:$0xC100] =	vst v63  }
0x25: {  	_ = 	snop  }
0x26: {  	[hbm4b:s5+s2] =	stream.indirect_vreg.scatter [tilespmem:s12], [sflag:$0x2], $0x80, v4, vm0, $0xb8;
	[tilespmem:$0xC100] =	vst v63  }
0x27: {  	_ = 	snop  }
0x28: {  	[hbm4b:s3+s2] =	stream.indirect_vreg.scatter [tilespmem:s13], [sflag:$0x2], $0x80, v3, vm0, $0xb8;
	[tilespmem:$0xC100] =	vst v63  }
0x29: {  	_ = 	snop  }
0x2a: {  	[hbm4b:s4+s2] =	stream.indirect_vreg.scatter [tilespmem:s14], [sflag:$0x2], $0x80, v3, vm0, $0xb8;
	[tilespmem:$0xC100] =	vst v63  }
0x2b: {  	_ = 	snop  }
0x2c: {  	[hbm4b:s5+s2] =	stream.indirect_vreg.scatter [tilespmem:s15], [sflag:$0x2], $0x80, v3, vm0, $0xb8;
	[tilespmem:$0xC100] =	vst v63  }
0x2d: {  	v3 =	vld [tilespmem:$0x10];
	_ =	sdelay $0x4  }
0x2e: {  	v57 =	vshrl.u32 v3, $0x3  }
0x2f: {  	v4 =	vmul.u32 $0x30, v57  }
0x30: {  	v3 =	vand.u32 $0x7, v3  }
0x31: {  	v3 =	vor.u32 v3, v4  }
0x32: {  	v4 =	vperm.xlane v3, v0;
	_ =	sdelay $0x1  }
0x33: {  	v4 =	vadd.s32 v1, v4;
	_ =	sdelay $0x3  }
0x34: {  	v3 =	vperm.xlane v3, v2  }
0x35: {  	[hbm4b:s3+s2] =	stream.indirect_vreg.scatter [tilespmem:s16], [sflag:$0x2], $0x80, v4, vm0, $0xb8;
	[tilespmem:$0xC100] =	vst v63  }
0x36: {  	v3 =	vadd.s32 v1, v3  }
0x37: {  	[hbm4b:s4+s2] =	stream.indirect_vreg.scatter [tilespmem:s17], [sflag:$0x2], $0x80, v4, vm0, $0xb8;
	[tilespmem:$0xC100] =	vst v63  }
0x38: {  	_ = 	snop  }
0x39: {  	[hbm4b:s5+s2] =	stream.indirect_vreg.scatter [tilespmem:s18], [sflag:$0x2], $0x80, v4, vm0, $0xb8;
	[tilespmem:$0xC100] =	vst v63  }
0x3a: {  	_ = 	snop  }
0x3b: {  	[hbm4b:s3+s2] =	stream.indirect_vreg.scatter [tilespmem:s19], [sflag:$0x2], $0x80, v3, vm0, $0xb8;
	[tilespmem:$0xC100] =	vst v63  }
0x3c: {  	_ = 	snop  }
0x3d: {  	[hbm4b:s4+s2] =	stream.indirect_vreg.scatter [tilespmem:s20], [sflag:$0x2], $0x80, v3, vm0, $0xb8;
	[tilespmem:$0xC100] =	vst v63  }
0x3e: {  	_ = 	snop  }
0x3f: {  	[hbm4b:s5+s2] =	stream.indirect_vreg.scatter [tilespmem:s21], [sflag:$0x2], $0x80, v3, vm0, $0xb8;
	[tilespmem:$0xC100] =	vst v63  }
0x40: {  	v3 =	vld [tilespmem:$0x20];
	_ =	sdelay $0x4  }
0x41: {  	v58 =	vshrl.u32 v3, $0x3  }
0x42: {  	v4 =	vmul.u32 $0x30, v58  }
0x43: {  	v3 =	vand.u32 $0x7, v3  }
0x44: {  	v3 =	vor.u32 v3, v4  }
0x45: {  	v4 =	vperm.xlane v3, v0;
	_ =	sdelay $0x1  }
0x46: {  	v4 =	vadd.s32 v1, v4;
	_ =	sdelay $0x3  }
0x47: {  	v3 =	vperm.xlane v3, v2  }
0x48: {  	[hbm4b:s3+s2] =	stream.indirect_vreg.scatter [tilespmem:s22], [sflag:$0x2], $0x80, v4, vm0, $0xb8;
	[tilespmem:$0xC100] =	vst v63  }
0x49: {  	v3 =	vadd.s32 v1, v3  }
0x4a: {  	[hbm4b:s4+s2] =	stream.indirect_vreg.scatter [tilespmem:s23], [sflag:$0x2], $0x80, v4, vm0, $0xb8;
	[tilespmem:$0xC100] =	vst v63  }
0x4b: {  	_ = 	snop  }
0x4c: {  	[hbm4b:s5+s2] =	stream.indirect_vreg.scatter [tilespmem:s24], [sflag:$0x2], $0x80, v4, vm0, $0xb8;
	[tilespmem:$0xC100] =	vst v63  }
0x4d: {  	_ = 	snop  }
0x4e: {  	[hbm4b:s3+s2] =	stream.indirect_vreg.scatter [tilespmem:s25], [sflag:$0x2], $0x80, v3, vm0, $0xb8;
	[tilespmem:$0xC100] =	vst v63  }
0x4f: {  	_ = 	snop  }
0x50: {  	[hbm4b:s4+s2] =	stream.indirect_vreg.scatter [tilespmem:s26], [sflag:$0x2], $0x80, v3, vm0, $0xb8;
	[tilespmem:$0xC100] =	vst v63  }
0x51: {  	_ = 	snop  }
0x52: {  	[hbm4b:s5+s2] =	stream.indirect_vreg.scatter [tilespmem:s28], [sflag:$0x2], $0x80, v3, vm0, $0xb8;
	[tilespmem:$0xC100] =	vst v63  }
0x53: {  	v3 =	vld [tilespmem:$0x30];
	_ =	sdelay $0x4  }
0x54: {  	v59 =	vshrl.u32 v3, $0x3  }
0x55: {  	v4 =	vmul.u32 $0x30, v59  }
0x56: {  	v3 =	vand.u32 $0x7, v3  }
0x57: {  	v3 =	vor.u32 v3, v4  }
0x58: {  	v4 =	vperm.xlane v3, v0;
	_ =	sdelay $0x1  }
0x59: {  	v4 =	vadd.s32 v1, v4;
	_ =	sdelay $0x3  }
0x5a: {  	v3 =	vperm.xlane v3, v2  }
0x5b: {  	[hbm4b:s3+s2] =	stream.indirect_vreg.scatter [tilespmem:s29], [sflag:$0x2], $0x80, v4, vm0, $0xb8;
	[tilespmem:$0xC100] =	vst v63  }
0x5c: {  	v3 =	vadd.s32 v1, v3  }
0x5d: {  	[hbm4b:s4+s2] =	stream.indirect_vreg.scatter [tilespmem:s30], [sflag:$0x2], $0x80, v4, vm0, $0xb8;
	[tilespmem:$0xC100] =	vst v63  }
0x5e: {  	_ = 	snop  }
0x5f: {  	[hbm4b:s5+s2] =	stream.indirect_vreg.scatter [tilespmem:s31], [sflag:$0x2], $0x80, v4, vm0, $0xb8;
	[tilespmem:$0xC100] =	vst v63  }
0x60: {  	_ = 	snop  }
0x61: {  	[hbm4b:s3+s2] =	stream.indirect_vreg.scatter [tilespmem:s1], [sflag:$0x2], $0x80, v3, vm0, $0xb8;
	[tilespmem:$0xC100] =	vst v63  }
0x62: {  	s0 =	simm.s32 $0xB100  }
0x63: {  	[hbm4b:s4+s2] =	stream.indirect_vreg.scatter [tilespmem:s0], [sflag:$0x2], $0x80, v3, vm0, $0xb8;
	[tilespmem:$0xC100] =	vst v63  }
0x64: {  	_ = 	snop  }
0x65: {  	[hbm4b:s5+s2] =	stream.indirect_vreg.scatter [tilespmem:s7], [sflag:$0x2], $0x80, v3, vm0, $0xb8;
	[tilespmem:$0xC100] =	vst v63  }
0x66: {  	v3 =	vld [tilespmem:$0x80];
	_ =	sdelay $0x4  }
0x67: {  	v60 =	vshrl.u32 v3, $0x3  }
0x68: {  	v4 =	vmul.u32 $0x30, v60  }
0x69: {  	v3 =	vand.u32 $0x7, v3  }
0x6a: {  	v3 =	vor.u32 v3, v4  }
0x6b: {  	v4 =	vperm.xlane v3, v0;
	_ =	sdelay $0x1  }
0x6c: {  	v4 =	vadd.s32 v1, v4;
	_ =	sdelay $0x3  }
0x6d: {  	v3 =	vperm.xlane v3, v2  }
0x6e: {  	[hbm4b:s3+s2] =	stream.indirect_vreg.scatter [tilespmem:s8], [sflag:$0x2], $0x80, v4, vm0, $0xb8;
	[tilespmem:$0xC100] =	vst v63  }
0x6f: {  	v3 =	vadd.s32 v1, v3  }
0x70: {  	[hbm4b:s4+s2] =	stream.indirect_vreg.scatter [tilespmem:s11], [sflag:$0x2], $0x80, v4, vm0, $0xb8;
	[tilespmem:$0xC100] =	vst v63  }
0x71: {  	_ = 	snop  }
0x72: {  	[hbm4b:s5+s2] =	stream.indirect_vreg.scatter [tilespmem:s12], [sflag:$0x2], $0x80, v4, vm0, $0xb8;
	[tilespmem:$0xC100] =	vst v63  }
0x73: {  	_ = 	snop  }
0x74: {  	[hbm4b:s3+s2] =	stream.indirect_vreg.scatter [tilespmem:s13], [sflag:$0x2], $0x80, v3, vm0, $0xb8;
	[tilespmem:$0xC100] =	vst v63  }
0x75: {  	_ = 	snop  }
0x76: {  	[hbm4b:s4+s2] =	stream.indirect_vreg.scatter [tilespmem:s14], [sflag:$0x2], $0x80, v3, vm0, $0xb8;
	[tilespmem:$0xC100] =	vst v63  }
0x77: {  	_ = 	snop  }
0x78: {  	[hbm4b:s5+s2] =	stream.indirect_vreg.scatter [tilespmem:s15], [sflag:$0x2], $0x80, v3, vm0, $0xb8;
	[tilespmem:$0xC100] =	vst v63  }
0x79: {  	v3 =	vld [tilespmem:$0x90];
	_ =	sdelay $0x4  }
0x7a: {  	v61 =	vshrl.u32 v3, $0x3  }
0x7b: {  	v4 =	vmul.u32 $0x30, v61  }
0x7c: {  	v3 =	vand.u32 $0x7, v3  }
0x7d: {  	v3 =	vor.u32 v3, v4  }
0x7e: {  	v4 =	vperm.xlane v3, v0;
	_ =	sdelay $0x1  }
0x7f: {  	v4 =	vadd.s32 v1, v4;
	_ =	sdelay $0x3  }
0x80: {  	v3 =	vperm.xlane v3, v2  }
0x81: {  	[hbm4b:s3+s2] =	stream.indirect_vreg.scatter [tilespmem:s16], [sflag:$0x2], $0x80, v4, vm0, $0xb8;
	[tilespmem:$0xC100] =	vst v63  }
0x82: {  	v3 =	vadd.s32 v1, v3  }
0x83: {  	[hbm4b:s4+s2] =	stream.indirect_vreg.scatter [tilespmem:s17], [sflag:$0x2], $0x80, v4, vm0, $0xb8;
	[tilespmem:$0xC100] =	vst v63  }
0x84: {  	_ = 	snop  }
0x85: {  	[hbm4b:s5+s2] =	stream.indirect_vreg.scatter [tilespmem:s18], [sflag:$0x2], $0x80, v4, vm0, $0xb8;
	[tilespmem:$0xC100] =	vst v63  }
0x86: {  	_ = 	snop  }
0x87: {  	[hbm4b:s3+s2] =	stream.indirect_vreg.scatter [tilespmem:s19], [sflag:$0x2], $0x80, v3, vm0, $0xb8;
	[tilespmem:$0xC100] =	vst v63  }
0x88: {  	_ = 	snop  }
0x89: {  	[hbm4b:s4+s2] =	stream.indirect_vreg.scatter [tilespmem:s20], [sflag:$0x2], $0x80, v3, vm0, $0xb8;
	[tilespmem:$0xC100] =	vst v63  }
0x8a: {  	_ = 	snop  }
0x8b: {  	[hbm4b:s5+s2] =	stream.indirect_vreg.scatter [tilespmem:s21], [sflag:$0x2], $0x80, v3, vm0, $0xb8;
	[tilespmem:$0xC100] =	vst v63  }
0x8c: {  	v3 =	vld [tilespmem:$0xA0];
	_ =	sdelay $0x4  }
0x8d: {  	v62 =	vshrl.u32 v3, $0x3  }
0x8e: {  	v4 =	vmul.u32 $0x30, v62  }
0x8f: {  	v3 =	vand.u32 $0x7, v3  }
0x90: {  	v3 =	vor.u32 v3, v4  }
0x91: {  	v4 =	vperm.xlane v3, v0;
	_ =	sdelay $0x1  }
0x92: {  	v4 =	vadd.s32 v1, v4;
	_ =	sdelay $0x3  }
0x93: {  	v3 =	vperm.xlane v3, v2  }
0x94: {  	[hbm4b:s3+s2] =	stream.indirect_vreg.scatter [tilespmem:s22], [sflag:$0x2], $0x80, v4, vm0, $0xb8;
	[tilespmem:$0xC100] =	vst v63  }
0x95: {  	v3 =	vadd.s32 v1, v3  }
0x96: {  	[hbm4b:s4+s2] =	stream.indirect_vreg.scatter [tilespmem:s23], [sflag:$0x2], $0x80, v4, vm0, $0xb8;
	[tilespmem:$0xC100] =	vst v63  }
0x97: {  	_ = 	snop  }
0x98: {  	[hbm4b:s5+s2] =	stream.indirect_vreg.scatter [tilespmem:s24], [sflag:$0x2], $0x80, v4, vm0, $0xb8;
	[tilespmem:$0xC100] =	vst v63  }
0x99: {  	_ = 	snop  }
0x9a: {  	[hbm4b:s3+s2] =	stream.indirect_vreg.scatter [tilespmem:s25], [sflag:$0x2], $0x80, v3, vm0, $0xb8;
	[tilespmem:$0xC100] =	vst v63  }
0x9b: {  	_ = 	snop  }
0x9c: {  	[hbm4b:s4+s2] =	stream.indirect_vreg.scatter [tilespmem:s26], [sflag:$0x2], $0x80, v3, vm0, $0xb8;
	[tilespmem:$0xC100] =	vst v63  }
0x9d: {  	_ = 	snop  }
0x9e: {  	[hbm4b:s5+s2] =	stream.indirect_vreg.scatter [tilespmem:s28], [sflag:$0x2], $0x80, v3, vm0, $0xb8;
	[tilespmem:$0xC100] =	vst v63  }
0x9f: {  	v3 =	vld [tilespmem:$0xB0];
	_ =	sdelay $0x4  }
0xa0: {  	v63 =	vshrl.u32 v3, $0x3  }
0xa1: {  	v4 =	vmul.u32 $0x30, v63  }
0xa2: {  	v3 =	vand.u32 $0x7, v3  }
0xa3: {  	v3 =	vor.u32 v3, v4  }
0xa4: {  	v4 =	vperm.xlane v3, v0;
	_ =	sdelay $0x1  }
0xa5: {  	v4 =	vadd.s32 v1, v4;
	_ =	sdelay $0x3  }
0xa6: {  	v3 =	vperm.xlane v3, v2  }
0xa7: {  	[hbm4b:s3+s2] =	stream.indirect_vreg.scatter [tilespmem:s29], [sflag:$0x2], $0x80, v4, vm0, $0xb8;
	[tilespmem:$0xC100] =	vst v63  }
0xa8: {  	v3 =	vadd.s32 v1, v3  }
0xa9: {  	[hbm4b:s4+s2] =	stream.indirect_vreg.scatter [tilespmem:s30], [sflag:$0x2], $0x80, v4, vm0, $0xb8;
	[tilespmem:$0xC100] =	vst v63  }
0xaa: {  	_ = 	snop  }
0xab: {  	[hbm4b:s5+s2] =	stream.indirect_vreg.scatter [tilespmem:s31], [sflag:$0x2], $0x80, v4, vm0, $0xb8;
	[tilespmem:$0xC100] =	vst v63  }
0xac: {  	_ = 	snop  }
0xad: {  	[hbm4b:s3+s2] =	stream.indirect_vreg.scatter [tilespmem:s1], [sflag:$0x2], $0x80, v3, vm0, $0xb8;
	[tilespmem:$0xC100] =	vst v63  }
0xae: {  	_ = 	snop  }
0xaf: {  	[hbm4b:s4+s2] =	stream.indirect_vreg.scatter [tilespmem:s0], [sflag:$0x2], $0x80, v3, vm0, $0xb8;
	[tilespmem:$0xC100] =	vst v63  }
0xb0: {  	_ = 	snop  }
0xb1: {  	[hbm4b:s5+s2] =	stream.indirect_vreg.scatter [tilespmem:s7], [sflag:$0x2], $0x80, v3, vm0, $0xb8;
	[tilespmem:$0xC100] =	vst v63  }
0xb2: {  	p0 =	sne.s32 s6, $0x1;
	_ =	swait.ge [sflag:s10], $0xC000  }
.Ltmp0:
0xb3: {  	[sflag:s10] =	ssyncset.done $0x0;
	(pc) =	sbr.rel @p0 .LBB2_1-.Ltmp0, $4  }
0xb4: {  	[sflag:s10] =	ssyncadd.s32 $0xFFFF4000  }
0xb5: {  	_ =	swait.ge [sflag:s10], $0xC000  }
0xb6: {  	[sflag:s10] =	ssyncset.done $0x0  }
0xb7: {  	s6 =	sadd.s32 $0xFFFFFFFF, s6;
	[sflag:s10] =	ssyncadd.s32 $0xFFFF4000  }
0xb8: {  	_ =	sfence.sel $0x180000  }
0xb9: {  	[bflag:$0x0] =	sbarrier.arrive $0xFFFF  }
0xba: {  	_ =	strace $0x90000047  }
0xbb: {  	s0 =	stileid.u32;
	[bflag:$0x2] =	sbarrier.arrive $0xFFFF  }
0xbc: {  	p0 =	sne.s32 s0, $0x0;
	s0 =	rddreg [dreg:$0x2]  }
0xbd: {  	s0 =	sadd.s32 @!p0 $0x100000, s0  }
0xbe: {  	[sflag:s0] =	ssyncadd.tile.s32 @!p0 $0x1;
	_ =	shalt  }
.Lfunc_end2:
_tile_overlayer_lowered:
.L_overlay_start_2:
0xbf: {  	(tag) =	ssettag $0x2  }
0xc0: {  	s0 =	rddreg [dreg:$0x0];
	s2 =	stileid.u32  }
0xc1: {  	s1 =	rddreg [dreg:$0x1];
	p0 =	sne.s32 s2, $0x0  }
0xc2: {  	s3 =	rddreg [dreg:$0x2];
	[bflag:$0x3] =	sbarrier.arrive $0xFFFF;
	s2 =	simm.s32 @!p0 $0x1C03  }
0xc3: {  	[timem:s3], [sflag:s2] =	dma.local @!p0 [hbm:s0], s1  }
0xc4: {  	s0 =	simm.s32 @!p0 $0x3  }
0xc5: {  	_ =	swait.ge @!p0 [sflag:s0], s1  }
0xc6: {  	s1 =	ssub.s32 @!p0 $0x0, s1;
	[sflag:s0] =	ssyncset.done @!p0 $0x0  }
0xc7: {  	[sflag:s0] =	ssyncadd.s32 @!p0 s1  }
0xc8: {  	[bflag:$0x3] =	sbarrier.arrive $0xFFFF  }
0xc9: {  	_ =	shalt  }

// kernel: kernel.9.cloned.1.call-start
scs
__scs_entry_jumppad:
0x0: {  	(pc) =	sbr.rel $0x88, $3  }
0x1: {  	(tag) =	ssettag $0x0;
	lr =	simm.s32 $0x1  }
0x2: {  	[smem:$0x3F9A] =	sst lr;
	_ =	strace $0xD0000000  }
0x3: {  	_ = 	snop  }
0x4: {  	_ = 	snop  }
0x5: {  	_ = 	snop  }
0x6: {  	_ = 	snop  }
0x7: {  	_ = 	snop  }
__scs_overlays_trampoline_lowered:
0x8: {  	[smem:$0x3FA9] =	sst s0  }
0x9: {  	[smem:$0x3FAA] =	sst s1  }
0xa: {  	[smem:$0x3FAB] =	sst s2  }
0xb: {  	[smem:$0x3FAC] =	sst s3  }
0xc: {  	[smem:$0x3FAD] =	sst s4  }
0xd: {  	[smem:$0x3FAE] =	sst s5  }
0xe: {  	[smem:$0x3FAF] =	sst s6  }
0xf: {  	[smem:$0x3FB0] =	sst s7  }
0x10: {  	[smem:$0x3FB1] =	sst s8  }
0x11: {  	[smem:$0x3FB2] =	sst s9;
	s0 =	simm.s32 @!p0 $0x0  }
0x12: {  	s1 =	sld [smem:$0x3F98];
	s0 =	simm.s32 @p0 $0x1  }
0x13: {  	[smem:$0x3FB3] =	sst s0;
	s0 =	simm.s32 @!p1 $0x0  }
0x14: {  	s2 =	sld [smem:$0x3F97];
	s0 =	simm.s32 @p1 $0x1  }
0x15: {  	[smem:$0x3FB4] =	sst s0;
	s0 =	simm.s32 @!p2 $0x0  }
0x16: {  	s3 =	sld [smem:$0x3FDB];
	s0 =	simm.s32 @p2 $0x1  }
0x17: {  	s4 =	simm.s32 $0x1BF5;
	[smem:$0x3FB6] =	sst s0  }
0x18: {  	s0 =	sld [smem:$0x3F99];
	_ =	swait.ge [sflag:s4], $0x0  }
0x19: {  	s7 =	sld [smem:$0x3F9A]  }
0x1a: {  	s8 =	sadd.s32 $0xFFFFE003, lr  }
0x1b: {  	s9 =	sadd.s32 $0xFFFFFEF7, lr;
	s5 =	simm.s32 $0xFFFFFFFF;
	p2 =	slt.u32 s8, $0xFFFFF086  }
0x1c: {  	p1 =	slt.u32 s9, $0xF7A;
	s5 =	simm.s32 @!p2 $0x0  }
0x1d: {  	s5 =	simm.s32 @p1 $0x1;
	p0 =	seq.s32 s7, s2  }
0x1e: {  	s7 =	smul.u32 @!p0 $0xF7A, s2;
	p2 =	seq.s32 @!p0 s5, $0x0  }
0x1f: {  	s9 =	smul.u32 $0xF7A, s1;
	s8 =	simm.s32 @!p0 $0x1BF5;
	p2 =	por !p2, p0  }
0x20: {  	[sflag:s8] =	ssyncset.s32 @!p0 $0xFFFFF086;
	s6 =	sadd.s32 @!p0 s3, s7;
	s7 =	simm.s32 @!p0 $0x108  }
0x21: {  	s3 =	sadd.s32 s3, s9;
	s6 =	sadd.s32 @!p0 $0x88, s6;
	s7 =	simm.s32 @p2 $0x1082  }
0x22: {  	[simem:s7], [sflag:s8] =	dma.local @!p0 [hbm:s6], $0xF7A  }
0x23: {  	s9 =	sor.u32 $0xD0000000, s2;
	s6 =	simm.s32 $0x108;
	_ =	swait.ge @!p0 [sflag:s8], $0x0  }
0x24: {  	s3 =	sadd.s32 $0x88, s3;
	s6 =	simm.s32 @!p1 $0x1082;
	[sflag:s4] =	ssyncset.s32 $0xFFFFF086  }
0x25: {  	[simem:s6], [sflag:s4] =	dma.local [hbm:s3], $0xF7A  }
0x26: {  	[smem:$0x3F9A] =	sst s1;
	(tag) =	ssettag s2;
	_ =	strace s9  }
0x27: {  	s1 =	sld [smem:$0x3FAA]  }
0x28: {  	s2 =	sld [smem:$0x3FAB]  }
0x29: {  	s4 =	sld [smem:$0x3FAD]  }
0x2a: {  	p0 =	seq.s32 s5, $0x0;
	s5 =	sld [smem:$0x3FAE]  }
0x2b: {  	s6 =	sld [smem:$0x3FAF]  }
0x2c: {  	s7 =	sld [smem:$0x3FB0]  }
0x2d: {  	s3 =	simm.s32 $0x108;
	s8 =	sld [smem:$0x3FB1]  }
0x2e: {  	s3 =	simm.s32 @!p0 $0x1082;
	s9 =	sld [smem:$0x3FB2]  }
0x2f: {  	lr =	sadd.s32 s0, s3;
	s0 =	sld [smem:$0x3FA9]  }
0x30: {  	s3 =	sld [smem:$0x3FAC]  }
0x31: {  	[smem:$0x3FB5] =	sst s10  }
0x32: {  	s10 =	sld [smem:$0x3FB3];
	_ =	sdelay $0x3  }
0x33: {  	p0 =	seq.s32 s10, $0x1;
	s10 =	sld [smem:$0x3FB5];
	_ =	sdelay $0x3  }
0x34: {  	[smem:$0x3FB5] =	sst s10  }
0x35: {  	s10 =	sld [smem:$0x3FB4];
	_ =	sdelay $0x3  }
0x36: {  	p1 =	seq.s32 s10, $0x1;
	s10 =	sld [smem:$0x3FB5];
	_ =	sdelay $0x3  }
0x37: {  	[smem:$0x3FB5] =	sst s10  }
0x38: {  	s10 =	sld [smem:$0x3FB6]  }
0x39: {  	_ = 	snop;
	(pc) =	sbr.ind lr, $3  }
0x3a: {  	_ = 	snop  }
0x3b: {  	_ = 	snop  }
0x3c: {  	p2 =	seq.s32 s10, $0x1;
	s10 =	sld [smem:$0x3FB5]  }
0x3d: {  	_ =	shalt  }
0x3e: {  	_ =	shalt  }
0x3f: {  	_ =	shalt  }
0x40: {  	_ =	shalt  }
0x41: {  	_ =	shalt  }
0x42: {  	_ =	shalt  }
0x43: {  	_ =	shalt  }
0x44: {  	_ =	shalt  }
0x45: {  	_ =	shalt  }
0x46: {  	_ =	shalt  }
0x47: {  	_ =	shalt  }
0x48: {  	_ =	shalt  }
0x49: {  	_ =	shalt  }
0x4a: {  	_ =	shalt  }
0x4b: {  	_ =	shalt  }
0x4c: {  	_ =	shalt  }
0x4d: {  	_ =	shalt  }
0x4e: {  	_ =	shalt  }
0x4f: {  	_ =	shalt  }
0x50: {  	_ =	shalt  }
0x51: {  	_ =	shalt  }
0x52: {  	_ =	shalt  }
0x53: {  	_ =	shalt  }
0x54: {  	_ =	shalt  }
0x55: {  	_ =	shalt  }
0x56: {  	_ =	shalt  }
0x57: {  	_ =	shalt  }
0x58: {  	_ =	shalt  }
0x59: {  	_ =	shalt  }
0x5a: {  	_ =	shalt  }
0x5b: {  	_ =	shalt  }
0x5c: {  	_ =	shalt  }
0x5d: {  	_ =	shalt  }
0x5e: {  	_ =	shalt  }
0x5f: {  	_ =	shalt  }
0x60: {  	_ =	shalt  }
0x61: {  	_ =	shalt  }
0x62: {  	_ =	shalt  }
0x63: {  	_ =	shalt  }
0x64: {  	_ =	shalt  }
0x65: {  	_ =	shalt  }
0x66: {  	_ =	shalt  }
0x67: {  	_ =	shalt  }
0x68: {  	_ =	shalt  }
0x69: {  	_ =	shalt  }
0x6a: {  	_ =	shalt  }
0x6b: {  	_ =	shalt  }
0x6c: {  	_ =	shalt  }
0x6d: {  	_ =	shalt  }
0x6e: {  	_ =	shalt  }
0x6f: {  	_ =	shalt  }
0x70: {  	_ =	shalt  }
0x71: {  	_ =	shalt  }
0x72: {  	_ =	shalt  }
0x73: {  	_ =	shalt  }
0x74: {  	_ =	shalt  }
0x75: {  	_ =	shalt  }
0x76: {  	_ =	shalt  }
0x77: {  	_ =	shalt  }
0x78: {  	_ =	shalt  }
0x79: {  	_ =	shalt  }
0x7a: {  	_ =	shalt  }
0x7b: {  	_ =	shalt  }
0x7c: {  	_ =	shalt  }
0x7d: {  	_ =	shalt  }
0x7e: {  	_ =	shalt  }
0x7f: {  	_ =	shalt  }
0x80: {  	_ =	shalt  }
0x81: {  	_ =	shalt  }
0x82: {  	_ =	shalt  }
0x83: {  	_ =	shalt  }
0x84: {  	_ =	shalt  }
0x85: {  	_ =	shalt  }
0x86: {  	_ =	shalt  }
0x87: {  	_ =	shalt  }
.Lfunc_end0:
.L_simem_size_0:
called_computation.1_lowered:
.L_overlay_start_0:
0x88: {  	s2 =	sld [smem:$0x3FD9]  }
0x89: {  	s3 =	sld [smem:$0x3FFE];
	_ =	sdelay $0x1  }
0x8a: {  	s1 =	srdreg.scid  }
0x8b: {  	s0 =	sand.u32 $0x1, s1  }
0x8c: {  	s17 =	sshll.u32 s0, $0xA;
	s2 =	sadd.s32 s3, s2  }
0x8d: {  	s2 =	sadd.s32 s2, s17  }
0x8e: {  	[smem:$0x3FC1] =	sst s2  }
0x8f: {  	_ = 	snop  }
0x90: {  	s2 =	sld [smem:$0x3FD0];
	(tm) =	ssettm $0x1  }
0x91: {  	s18 =	sld [smem:$0x3FFB];
	_ =	sdelay $0x3  }
0x92: {  	_ =	strace s18  }
0x93: {  	s3 =	sld [smem:$0x3FFC];
	_ =	sdelay $0x3  }
0x94: {  	_ =	strace s3  }
0x95: {  	s3 =	sld [smem:$0x3FFD];
	_ =	sdelay $0x3  }
0x96: {  	_ =	strace s3  }
0x97: {  	_ =	strace $0x8FFFFFFF  }
0x98: {  	s19 =	sld [smem:$0x3FDB];
	_ =	sdelay $0x1  }
0x99: {  	s4 =	simm.s32 $_scs_section_size  }
0x9a: {  	s5 =	simm.s32 $_size__tile_overlayer_lowered;
	s6 =	simm.s32 $_tile_overlayer_lowered  }
0x9b: {  	s22 =	simm.s32 $0x1BFF;
	s21 =	sshll.u32 s6, $0x1;
	s3 =	sadd.s32 s4, s19  }
0x9c: {  	s7 =	simm.s32 $0x0;
	s20 =	sshll.u32 s5, $0x1;
	s5 =	sadd.s32 s21, s3  }
0x9d: {  	[timem:s7], [sflag:s22] =	dma.local [hbm:s5], s20  }
0x9e: {  	_ =	swait.ge [sflag:s22], s20  }
0x9f: {  	s4 =	ssub.s32 $0x0, s20;
	[sflag:s22] =	ssyncset.done $0x0  }
0xa0: {  	[sflag:s22] =	ssyncadd.s32 s4;
	_ =	sdelay $0x1  }
0xa1: {  	s23 =	simm.s32 $0x1B8B  }
0xa2: {  	_ =	swait.ge [sflag:s23], $0x1  }
0xa3: {  	[sflag:s23] =	ssyncset.done $0x0  }
0xa4: {  	s25 =	simm.s32 $0x1B8E;
	s24 =	sld [smem:$0x3FFE];
	[sflag:s23] =	ssyncadd.s32 $0xFFFFFFFF  }
0xa5: {  	s26 =	simm.s32 $execute0_lowered;
	[smem:$0x3FD2] =	sst s25  }
0xa6: {  	s5 =	sshll.u32 s26, $0x1;
	_ =	strace $0x80000049;
	[dreg:$0x1] =	wrdreg $0xFFFFFFFF  }
0xa7: {  	s28 =	simm.s32 $_size_execute0_lowered;
	s3 =	sadd.s32 s3, s5;
	[dreg:$0x0] =	wrdreg $0x0  }
0xa8: {  	s5 =	sshll.u32 s28, $0x1;
	[dreg:$0x2] =	wrdreg s3  }
0xa9: {  	[dreg:$0x3] =	wrdreg s5  }
0xaa: {  	[dreg:$0x4] =	wrdreg $0xC0  }
0xab: {  	_ =	task [dreg:s7], $0x5FFFF  }
0xac: {  	[dreg:$0x1] =	wrdreg $0xFFFFFFFF  }
0xad: {  	[dreg:$0x0] =	wrdreg $0x60  }
0xae: {  	[dreg:$0x2] =	wrdreg s24  }
0xaf: {  	[dreg:$0x3] =	wrdreg s2  }
0xb0: {  	[dreg:$0x4] =	wrdreg $0x9  }
0xb1: {  	_ =	task.clear_ibuf [dreg:s7], $0x5FFFF;
	_ =	strace $0x90000049  }
0xb2: {  	s29 =	simm.s32 $0x9;
	_ =	strace $0x8000004B  }
0xb3: {  	_ =	swait.ge [sflag:s29], $0x1  }
0xb4: {  	[sflag:s29] =	ssyncadd.s32 $0xFFFFFFFF  }
0xb5: {  	_ =	strace $0x9000004B  }
0xb6: {  	_ =	sfence  }
0xb7: {  	s30 =	sld [smem:$0x0];
	_ =	sdelay $0x2  }
0xb8: {  	s31 =	sshll.u32 s1, $0xD;
	s1 =	sshrl.u32 s1, $0x2  }
0xb9: {  	s3 =	sand.u32 $0x4000, s31;
	s1 =	sadd.s32 s1, s30  }
0xba: {  	s0 =	sor.u32 s3, s0;
	s1 =	sshll.u32 s1, $0x11  }
0xbb: {  	s0 =	sor.u32 s1, s0  }
0xbc: {  	s0 =	sadd.s32 $0x8F2B, s0  }
0xbd: {  	[sflag:s0] =	ssyncadd.remote.s32 $0x1  }
0xbe: {  	_ =	sfence.sel $0xFFFF  }
0xbf: {  	[dreg:$0x0] =	wrdreg $0xFFFFFFFF;
	(pc) =	sbr.abs _section_cstart, $3  }
0xc0: {  	[dreg:$0x1] =	wrdreg $0xFFFFFFFF  }
0xc1: {  	_ =	task.clear_ibuf [dreg:s7], $0x2FFFF;
	_ =	strace $0x9FFFFFFF  }
0xc2: {  	(tm) =	ssettm $0x7FFFFFFF  }
0xc3: {  	_ =	shalt  }
tec
execute0_lowered:
.L_overlay_start_1:
0x0: {  	(tag) =	ssettag $0x1  }
0x1: {  	s0 =	rddreg [dreg:$0x0]  }
0x2: {  	s1 =	rddreg [dreg:$0x1];
	s2 =	simm.s32 $0x0;
	s3 =	srdreg.scid  }
0x3: {  	s4 =	stileid.u32;
	s9 =	simm.s32 $0x4;
	s10 =	simm.s32 $0x100  }
0x4: {  	s23 =	simm.s32 $0x11900;
	s24 =	simm.s32 $0x12100;
	s25 =	simm.s32 $0x12900  }
0x5: {  	s28 =	simm.s32 $0x13900;
	s29 =	simm.s32 $0x14100;
	s30 =	simm.s32 $0x14900  }
0x6: {  	s31 =	simm.s32 $0x15100;
	s11 =	simm.s32 $0x16900;
	s12 =	simm.s32 $0x17100  }
0x7: {  	s13 =	simm.s32 $0x17900;
	s14 =	simm.s32 $0x1;
	s15 =	simm.s32 $0x2  }
0x8: {  	s16 =	simm.s32 $0x3;
	s17 =	simm.s32 $0x0;
	s3 =	sand.u32 $0x1, s3  }
0x9: {  	[smem:$0x7FF] =	sst s2;
	s4 =	sshll.u32 s4, $0x1;
	s5 =	ssub.s32 $0x2, s3  }
0xa: {  	_ =	strace $0x8000004A;
	s3 =	sor.u32 s3, s4;
	s26 =	sshrl.u32 s5, $0x1  }
0xb: {  	s6 =	sshll.u32 s3, $0x5;
	s7 =	smul.u32 $0x1800, s3;
	s3 =	sadd.s32 $0x400, s0  }
0xc: {  	v2 =	vlaneseq.u32;
	s8 =	ssub.s32 s5, s26;
	s4 =	sadd.s32 s0, s6;
	s5 =	sadd.s32 $0x500, s0  }
0xd: {  	vm0 =	vmmov $0xffff;
	v1 =	vshrl.u32 v2, $0x3;
	s6 =	sadd.s32 $0x600, s0;
	s26 =	simm.s32 $0x13100;
	s0 =	simm.s32 $0x15900  }
0xe: {  	v0 =	vand.u32 $0x7, v2;
	v2 =	vor.u32 $0x8, v2;
	v1 =	vmul.u32 $0x8, v1;
	s7 =	sadd.s32 s1, s7;
	s8 =	smax.u32 s8, $0x1;
	s1 =	simm.s32 $0x16100  }
.LBB2_1:
0xf: {  	[tilespmem:s2], [sflag:$0x4] =	stream.linear.gather [hbm4b:s4+s2], $0x100, $0x38;
	[tilespmem:$0x18100] =	vst v63  }
0x10: {  	_ =	swait.ge [sflag:s9], $0x100  }
0x11: {  	[sflag:s9] =	ssyncset.done $0x0  }
0x12: {  	[sflag:s9] =	ssyncadd.s32 $0xFFFFFF00  }
0x13: {  	v3 =	vld [tilespmem:$0x0];
	_ =	sdelay $0x4  }
0x14: {  	v4 =	vshrl.u32 v3, $0x3  }
0x15: {  	v4 =	vmul.u32 $0x30, v4  }
0x16: {  	v3 =	vand.u32 $0x7, v3  }
0x17: {  	v3 =	vor.u32 v3, v4  }
0x18: {  	v4 =	vperm.xlane v3, v0;
	_ =	sdelay $0x1  }
0x19: {  	v4 =	vadd.s32 v1, v4;
	_ =	sdelay $0x3  }
0x1a: {  	v3 =	vperm.xlane v3, v2  }
0x1b: {  	[tilespmem:s10], [sflag:$0x1] =	stream.indirect_vreg.gather [hbm4b:s3+s2], $0x80, v4, vm0, $0xb8;
	[tilespmem:$0x18100] =	vst v63  }
0x1c: {  	s18 =	simm.s32 $0x900;
	v3 =	vadd.s32 v1, v3  }
0x1d: {  	[tilespmem:s18], [sflag:$0x1] =	stream.indirect_vreg.gather [hbm4b:s5+s2], $0x80, v4, vm0, $0xb8;
	[tilespmem:$0x18100] =	vst v63  }
0x1e: {  	s21 =	simm.s32 $0x1100  }
0x1f: {  	[tilespmem:s21], [sflag:$0x1] =	stream.indirect_vreg.gather [hbm4b:s6+s2], $0x80, v4, vm0, $0xb8;
	[tilespmem:$0x18100] =	vst v63  }
0x20: {  	s22 =	simm.s32 $0x1900  }
0x21: {  	[tilespmem:s22], [sflag:$0x1] =	stream.indirect_vreg.gather [hbm4b:s3+s2], $0x80, v3, vm0, $0xb8;
	[tilespmem:$0x18100] =	vst v63  }
0x22: {  	s19 =	simm.s32 $0x2100  }
0x23: {  	[tilespmem:s19], [sflag:$0x1] =	stream.indirect_vreg.gather [hbm4b:s5+s2], $0x80, v3, vm0, $0xb8;
	[tilespmem:$0x18100] =	vst v63  }
0x24: {  	s20 =	simm.s32 $0x2900  }
0x25: {  	[tilespmem:s20], [sflag:$0x1] =	stream.indirect_vreg.gather [hbm4b:s6+s2], $0x80, v3, vm0, $0xb8;
	[tilespmem:$0x18100] =	vst v63  }
0x26: {  	v3 =	vld [tilespmem:$0x10];
	_ =	sdelay $0x4  }
0x27: {  	v4 =	vshrl.u32 v3, $0x3  }
0x28: {  	v4 =	vmul.u32 $0x30, v4  }
0x29: {  	v3 =	vand.u32 $0x7, v3  }
0x2a: {  	v3 =	vor.u32 v3, v4  }
0x2b: {  	v4 =	vperm.xlane v3, v0;
	_ =	sdelay $0x1  }
0x2c: {  	v4 =	vadd.s32 v1, v4;
	_ =	sdelay $0x3  }
0x2d: {  	s21 =	simm.s32 $0x3100;
	v3 =	vperm.xlane v3, v2  }
0x2e: {  	[tilespmem:s21], [sflag:$0x1] =	stream.indirect_vreg.gather [hbm4b:s3+s2], $0x80, v4, vm0, $0xb8;
	[tilespmem:$0x18100] =	vst v63  }
0x2f: {  	s22 =	simm.s32 $0x3900;
	v3 =	vadd.s32 v1, v3  }
0x30: {  	[tilespmem:s22], [sflag:$0x1] =	stream.indirect_vreg.gather [hbm4b:s5+s2], $0x80, v4, vm0, $0xb8;
	[tilespmem:$0x18100] =	vst v63  }
0x31: {  	s19 =	simm.s32 $0x4100  }
0x32: {  	[tilespmem:s19], [sflag:$0x1] =	stream.indirect_vreg.gather [hbm4b:s6+s2], $0x80, v4, vm0, $0xb8;
	[tilespmem:$0x18100] =	vst v63  }
0x33: {  	s20 =	simm.s32 $0x4900  }
0x34: {  	[tilespmem:s20], [sflag:$0x1] =	stream.indirect_vreg.gather [hbm4b:s3+s2], $0x80, v3, vm0, $0xb8;
	[tilespmem:$0x18100] =	vst v63  }
0x35: {  	s21 =	simm.s32 $0x5100  }
0x36: {  	[tilespmem:s21], [sflag:$0x1] =	stream.indirect_vreg.gather [hbm4b:s5+s2], $0x80, v3, vm0, $0xb8;
	[tilespmem:$0x18100] =	vst v63  }
0x37: {  	s22 =	simm.s32 $0x5900  }
0x38: {  	[tilespmem:s22], [sflag:$0x1] =	stream.indirect_vreg.gather [hbm4b:s6+s2], $0x80, v3, vm0, $0xb8;
	[tilespmem:$0x18100] =	vst v63  }
0x39: {  	v3 =	vld [tilespmem:$0x20];
	_ =	sdelay $0x4  }
0x3a: {  	v4 =	vshrl.u32 v3, $0x3  }
0x3b: {  	v4 =	vmul.u32 $0x30, v4  }
0x3c: {  	v3 =	vand.u32 $0x7, v3  }
0x3d: {  	v3 =	vor.u32 v3, v4  }
0x3e: {  	v4 =	vperm.xlane v3, v0;
	_ =	sdelay $0x1  }
0x3f: {  	v4 =	vadd.s32 v1, v4;
	_ =	sdelay $0x3  }
0x40: {  	s19 =	simm.s32 $0x6100;
	v3 =	vperm.xlane v3, v2  }
0x41: {  	[tilespmem:s19], [sflag:$0x1] =	stream.indirect_vreg.gather [hbm4b:s3+s2], $0x80, v4, vm0, $0xb8;
	[tilespmem:$0x18100] =	vst v63  }
0x42: {  	s20 =	simm.s32 $0x6900;
	v3 =	vadd.s32 v1, v3  }
0x43: {  	[tilespmem:s20], [sflag:$0x1] =	stream.indirect_vreg.gather [hbm4b:s5+s2], $0x80, v4, vm0, $0xb8;
	[tilespmem:$0x18100] =	vst v63  }
0x44: {  	s21 =	simm.s32 $0x7100  }
0x45: {  	[tilespmem:s21], [sflag:$0x1] =	stream.indirect_vreg.gather [hbm4b:s6+s2], $0x80, v4, vm0, $0xb8;
	[tilespmem:$0x18100] =	vst v63  }
0x46: {  	s22 =	simm.s32 $0x7900  }
0x47: {  	[tilespmem:s22], [sflag:$0x1] =	stream.indirect_vreg.gather [hbm4b:s3+s2], $0x80, v3, vm0, $0xb8;
	[tilespmem:$0x18100] =	vst v63  }
0x48: {  	s19 =	simm.s32 $0x8100  }
0x49: {  	[tilespmem:s19], [sflag:$0x1] =	stream.indirect_vreg.gather [hbm4b:s5+s2], $0x80, v3, vm0, $0xb8;
	[tilespmem:$0x18100] =	vst v63  }
0x4a: {  	s20 =	simm.s32 $0x8900  }
0x4b: {  	[tilespmem:s20], [sflag:$0x1] =	stream.indirect_vreg.gather [hbm4b:s6+s2], $0x80, v3, vm0, $0xb8;
	[tilespmem:$0x18100] =	vst v63  }
0x4c: {  	v3 =	vld [tilespmem:$0x30];
	_ =	sdelay $0x4  }
0x4d: {  	v4 =	vshrl.u32 v3, $0x3  }
0x4e: {  	v4 =	vmul.u32 $0x30, v4  }
0x4f: {  	v3 =	vand.u32 $0x7, v3  }
0x50: {  	v3 =	vor.u32 v3, v4  }
0x51: {  	v4 =	vperm.xlane v3, v0;
	_ =	sdelay $0x1  }
0x52: {  	v4 =	vadd.s32 v1, v4;
	_ =	sdelay $0x3  }
0x53: {  	s21 =	simm.s32 $0x9100;
	v3 =	vperm.xlane v3, v2  }
0x54: {  	[tilespmem:s21], [sflag:$0x1] =	stream.indirect_vreg.gather [hbm4b:s3+s2], $0x80, v4, vm0, $0xb8;
	[tilespmem:$0x18100] =	vst v63  }
0x55: {  	s22 =	simm.s32 $0x9900;
	v3 =	vadd.s32 v1, v3  }
0x56: {  	[tilespmem:s22], [sflag:$0x1] =	stream.indirect_vreg.gather [hbm4b:s5+s2], $0x80, v4, vm0, $0xb8;
	[tilespmem:$0x18100] =	vst v63  }
0x57: {  	s19 =	simm.s32 $0xA100  }
0x58: {  	[tilespmem:s19], [sflag:$0x1] =	stream.indirect_vreg.gather [hbm4b:s6+s2], $0x80, v4, vm0, $0xb8;
	[tilespmem:$0x18100] =	vst v63  }
0x59: {  	s20 =	simm.s32 $0xA900  }
0x5a: {  	[tilespmem:s20], [sflag:$0x1] =	stream.indirect_vreg.gather [hbm4b:s3+s2], $0x80, v3, vm0, $0xb8;
	[tilespmem:$0x18100] =	vst v63  }
0x5b: {  	s21 =	simm.s32 $0xB100  }
0x5c: {  	[tilespmem:s21], [sflag:$0x1] =	stream.indirect_vreg.gather [hbm4b:s5+s2], $0x80, v3, vm0, $0xb8;
	[tilespmem:$0x18100] =	vst v63  }
0x5d: {  	s22 =	simm.s32 $0xB900  }
0x5e: {  	[tilespmem:s22], [sflag:$0x1] =	stream.indirect_vreg.gather [hbm4b:s6+s2], $0x80, v3, vm0, $0xb8;
	[tilespmem:$0x18100] =	vst v63  }
0x5f: {  	v3 =	vld [tilespmem:$0x80];
	_ =	sdelay $0x4  }
0x60: {  	v4 =	vshrl.u32 v3, $0x3  }
0x61: {  	v4 =	vmul.u32 $0x30, v4  }
0x62: {  	v3 =	vand.u32 $0x7, v3  }
0x63: {  	v3 =	vor.u32 v3, v4  }
0x64: {  	v4 =	vperm.xlane v3, v0;
	_ =	sdelay $0x1  }
0x65: {  	v4 =	vadd.s32 v1, v4;
	_ =	sdelay $0x3  }
0x66: {  	s19 =	simm.s32 $0xC100;
	v3 =	vperm.xlane v3, v2  }
0x67: {  	[tilespmem:s19], [sflag:$0x2] =	stream.indirect_vreg.gather [hbm4b:s3+s2], $0x80, v4, vm0, $0xb8;
	[tilespmem:$0x18100] =	vst v63  }
0x68: {  	s20 =	simm.s32 $0xC900;
	v3 =	vadd.s32 v1, v3  }
0x69: {  	[tilespmem:s20], [sflag:$0x2] =	stream.indirect_vreg.gather [hbm4b:s5+s2], $0x80, v4, vm0, $0xb8;
	[tilespmem:$0x18100] =	vst v63  }
0x6a: {  	s21 =	simm.s32 $0xD100  }
0x6b: {  	[tilespmem:s21], [sflag:$0x2] =	stream.indirect_vreg.gather [hbm4b:s6+s2], $0x80, v4, vm0, $0xb8;
	[tilespmem:$0x18100] =	vst v63  }
0x6c: {  	s22 =	simm.s32 $0xD900  }
0x6d: {  	[tilespmem:s22], [sflag:$0x2] =	stream.indirect_vreg.gather [hbm4b:s3+s2], $0x80, v3, vm0, $0xb8;
	[tilespmem:$0x18100] =	vst v63  }
0x6e: {  	s19 =	simm.s32 $0xE100  }
0x6f: {  	[tilespmem:s19], [sflag:$0x2] =	stream.indirect_vreg.gather [hbm4b:s5+s2], $0x80, v3, vm0, $0xb8;
	[tilespmem:$0x18100] =	vst v63  }
0x70: {  	s20 =	simm.s32 $0xE900  }
0x71: {  	[tilespmem:s20], [sflag:$0x2] =	stream.indirect_vreg.gather [hbm4b:s6+s2], $0x80, v3, vm0, $0xb8;
	[tilespmem:$0x18100] =	vst v63  }
0x72: {  	v3 =	vld [tilespmem:$0x90];
	_ =	sdelay $0x4  }
0x73: {  	v4 =	vshrl.u32 v3, $0x3  }
0x74: {  	v4 =	vmul.u32 $0x30, v4  }
0x75: {  	v3 =	vand.u32 $0x7, v3  }
0x76: {  	v3 =	vor.u32 v3, v4  }
0x77: {  	v4 =	vperm.xlane v3, v0;
	_ =	sdelay $0x1  }
0x78: {  	v4 =	vadd.s32 v1, v4;
	_ =	sdelay $0x3  }
0x79: {  	s21 =	simm.s32 $0xF100;
	v3 =	vperm.xlane v3, v2  }
0x7a: {  	[tilespmem:s21], [sflag:$0x2] =	stream.indirect_vreg.gather [hbm4b:s3+s2], $0x80, v4, vm0, $0xb8;
	[tilespmem:$0x18100] =	vst v63  }
0x7b: {  	s22 =	simm.s32 $0xF900;
	v3 =	vadd.s32 v1, v3  }
0x7c: {  	[tilespmem:s22], [sflag:$0x2] =	stream.indirect_vreg.gather [hbm4b:s5+s2], $0x80, v4, vm0, $0xb8;
	[tilespmem:$0x18100] =	vst v63  }
0x7d: {  	s19 =	simm.s32 $0x10100  }
0x7e: {  	[tilespmem:s19], [sflag:$0x2] =	stream.indirect_vreg.gather [hbm4b:s6+s2], $0x80, v4, vm0, $0xb8;
	[tilespmem:$0x18100] =	vst v63  }
0x7f: {  	s20 =	simm.s32 $0x10900  }
0x80: {  	[tilespmem:s20], [sflag:$0x2] =	stream.indirect_vreg.gather [hbm4b:s3+s2], $0x80, v3, vm0, $0xb8;
	[tilespmem:$0x18100] =	vst v63  }
0x81: {  	s21 =	simm.s32 $0x11100  }
0x82: {  	[tilespmem:s21], [sflag:$0x2] =	stream.indirect_vreg.gather [hbm4b:s5+s2], $0x80, v3, vm0, $0xb8;
	[tilespmem:$0x18100] =	vst v63  }
0x83: {  	_ = 	snop  }
0x84: {  	[tilespmem:s23], [sflag:$0x2] =	stream.indirect_vreg.gather [hbm4b:s6+s2], $0x80, v3, vm0, $0xb8;
	[tilespmem:$0x18100] =	vst v63  }
0x85: {  	v3 =	vld [tilespmem:$0xA0];
	_ =	sdelay $0x4  }
0x86: {  	v4 =	vshrl.u32 v3, $0x3  }
0x87: {  	v4 =	vmul.u32 $0x30, v4  }
0x88: {  	v3 =	vand.u32 $0x7, v3  }
0x89: {  	v3 =	vor.u32 v3, v4  }
0x8a: {  	v4 =	vperm.xlane v3, v0;
	_ =	sdelay $0x1  }
0x8b: {  	v4 =	vadd.s32 v1, v4;
	_ =	sdelay $0x3  }
0x8c: {  	v3 =	vperm.xlane v3, v2  }
0x8d: {  	[tilespmem:s24], [sflag:$0x2] =	stream.indirect_vreg.gather [hbm4b:s3+s2], $0x80, v4, vm0, $0xb8;
	[tilespmem:$0x18100] =	vst v63  }
0x8e: {  	v3 =	vadd.s32 v1, v3  }
0x8f: {  	[tilespmem:s25], [sflag:$0x2] =	stream.indirect_vreg.gather [hbm4b:s5+s2], $0x80, v4, vm0, $0xb8;
	[tilespmem:$0x18100] =	vst v63  }
0x90: {  	_ = 	snop  }
0x91: {  	[tilespmem:s26], [sflag:$0x2] =	stream.indirect_vreg.gather [hbm4b:s6+s2], $0x80, v4, vm0, $0xb8;
	[tilespmem:$0x18100] =	vst v63  }
0x92: {  	_ = 	snop  }
0x93: {  	[tilespmem:s28], [sflag:$0x2] =	stream.indirect_vreg.gather [hbm4b:s3+s2], $0x80, v3, vm0, $0xb8;
	[tilespmem:$0x18100] =	vst v63  }
0x94: {  	_ = 	snop  }
0x95: {  	[tilespmem:s29], [sflag:$0x2] =	stream.indirect_vreg.gather [hbm4b:s5+s2], $0x80, v3, vm0, $0xb8;
	[tilespmem:$0x18100] =	vst v63  }
0x96: {  	_ = 	snop  }
0x97: {  	[tilespmem:s30], [sflag:$0x2] =	stream.indirect_vreg.gather [hbm4b:s6+s2], $0x80, v3, vm0, $0xb8;
	[tilespmem:$0x18100] =	vst v63  }
0x98: {  	v3 =	vld [tilespmem:$0xB0];
	_ =	sdelay $0x4  }
0x99: {  	v4 =	vshrl.u32 v3, $0x3  }
0x9a: {  	v4 =	vmul.u32 $0x30, v4  }
0x9b: {  	v3 =	vand.u32 $0x7, v3  }
0x9c: {  	v3 =	vor.u32 v3, v4  }
0x9d: {  	v4 =	vperm.xlane v3, v0;
	_ =	sdelay $0x1  }
0x9e: {  	v4 =	vadd.s32 v1, v4;
	_ =	sdelay $0x3  }
0x9f: {  	v3 =	vperm.xlane v3, v2  }
0xa0: {  	[tilespmem:s31], [sflag:$0x2] =	stream.indirect_vreg.gather [hbm4b:s3+s2], $0x80, v4, vm0, $0xb8;
	[tilespmem:$0x18100] =	vst v63  }
0xa1: {  	v3 =	vadd.s32 v1, v3  }
0xa2: {  	[tilespmem:s0], [sflag:$0x2] =	stream.indirect_vreg.gather [hbm4b:s5+s2], $0x80, v4, vm0, $0xb8;
	[tilespmem:$0x18100] =	vst v63  }
0xa3: {  	_ = 	snop  }
0xa4: {  	[tilespmem:s1], [sflag:$0x2] =	stream.indirect_vreg.gather [hbm4b:s6+s2], $0x80, v4, vm0, $0xb8;
	[tilespmem:$0x18100] =	vst v63  }
0xa5: {  	_ = 	snop  }
0xa6: {  	[tilespmem:s11], [sflag:$0x2] =	stream.indirect_vreg.gather [hbm4b:s3+s2], $0x80, v3, vm0, $0xb8;
	[tilespmem:$0x18100] =	vst v63  }
0xa7: {  	_ = 	snop  }
0xa8: {  	[tilespmem:s12], [sflag:$0x2] =	stream.indirect_vreg.gather [hbm4b:s5+s2], $0x80, v3, vm0, $0xb8;
	[tilespmem:$0x18100] =	vst v63  }
0xa9: {  	_ = 	snop  }
0xaa: {  	[tilespmem:s13], [sflag:$0x2] =	stream.indirect_vreg.gather [hbm4b:s6+s2], $0x80, v3, vm0, $0xb8;
	[tilespmem:$0x18100] =	vst v63  }
0xab: {  	_ =	swait.ge [sflag:s14], $0xC000  }
0xac: {  	[sflag:s14] =	ssyncset.done $0x0  }
0xad: {  	s22 =	simm.s32 $0x0;
	[sflag:s14] =	ssyncadd.s32 $0xFFFF4000  }
0xae: {  	s18 =	smul.u32 $0x1800, s22;
	_ =	swait.ge [sflag:s15], $0xC000  }
0xaf: {  	s19 =	sand.u32 $0x380, s2;
	[sflag:s15] =	ssyncset.done $0x0  }
0xb0: {  	s18 =	sor.u32 s19, s18;
	[sflag:s15] =	ssyncadd.s32 $0xFFFF4000  }
0xb1: {  	v12 =	vld [tilespmem:s18+$0xC100]  }
0xb2: {  	v13 =	vld [tilespmem:s18+$0xC110]  }
0xb3: {  	v14 =	vld [tilespmem:s18+$0xC120]  }
0xb4: {  	v15 =	vld [tilespmem:s18+$0xC130]  }
0xb5: {  	v16 =	vld [tilespmem:s18+$0xC140]  }
0xb6: {  	v17 =	vld [tilespmem:s18+$0xC150]  }
0xb7: {  	v18 =	vld [tilespmem:s18+$0xC160]  }
0xb8: {  	v19 =	vld [tilespmem:s18+$0xC170]  }
0xb9: {  	v20 =	vld [tilespmem:s18+$0xC500]  }
0xba: {  	v21 =	vld [tilespmem:s18+$0xC510]  }
0xbb: {  	v22 =	vld [tilespmem:s18+$0xC520]  }
0xbc: {  	v23 =	vld [tilespmem:s18+$0xC530]  }
0xbd: {  	v24 =	vld [tilespmem:s18+$0xC540]  }
0xbe: {  	v25 =	vld [tilespmem:s18+$0xC550]  }
0xbf: {  	v26 =	vld [tilespmem:s18+$0xC560]  }
0xc0: {  	v27 =	vld [tilespmem:s18+$0xC570]  }
0xc1: {  	v28 =	vld [tilespmem:s18+$0xC900]  }
0xc2: {  	v29 =	vld [tilespmem:s18+$0xC910]  }
0xc3: {  	v30 =	vld [tilespmem:s18+$0xC920]  }
0xc4: {  	v31 =	vld [tilespmem:s18+$0xC930]  }
0xc5: {  	v32 =	vld [tilespmem:s18+$0xC940]  }
0xc6: {  	v33 =	vld [tilespmem:s18+$0xC950]  }
0xc7: {  	v34 =	vld [tilespmem:s18+$0xC960]  }
0xc8: {  	v35 =	vld [tilespmem:s18+$0xC970]  }
0xc9: {  	v36 =	vld [tilespmem:s18+$0xCD00]  }
0xca: {  	v37 =	vld [tilespmem:s18+$0xCD10]  }
0xcb: {  	v38 =	vld [tilespmem:s18+$0xCD20]  }
0xcc: {  	v39 =	vld [tilespmem:s18+$0xCD30]  }
0xcd: {  	v40 =	vld [tilespmem:s18+$0xCD40]  }
0xce: {  	v41 =	vld [tilespmem:s18+$0xCD50]  }
0xcf: {  	v42 =	vld [tilespmem:s18+$0xCD60]  }
0xd0: {  	v43 =	vld [tilespmem:s18+$0xCD70]  }
0xd1: {  	v44 =	vld [tilespmem:s18+$0xD100]  }
0xd2: {  	v45 =	vld [tilespmem:s18+$0xD110]  }
0xd3: {  	v46 =	vld [tilespmem:s18+$0xD120]  }
0xd4: {  	v47 =	vld [tilespmem:s18+$0xD130]  }
0xd5: {  	v48 =	vld [tilespmem:s18+$0xD140]  }
0xd6: {  	v49 =	vld [tilespmem:s18+$0xD150]  }
0xd7: {  	v50 =	vld [tilespmem:s18+$0xD160]  }
0xd8: {  	v11 =	vld [tilespmem:s18+$0xD170]  }
0xd9: {  	v10 =	vld [tilespmem:s18+$0xD500]  }
0xda: {  	v9 =	vld [tilespmem:s18+$0xD510]  }
0xdb: {  	v8 =	vld [tilespmem:s18+$0xD520]  }
0xdc: {  	v7 =	vld [tilespmem:s18+$0xD530]  }
0xdd: {  	v6 =	vld [tilespmem:s18+$0xD540]  }
0xde: {  	v51 =	vld [tilespmem:s18+$0x100]  }
0xdf: {  	v52 =	vld [tilespmem:s18+$0x110]  }
0xe0: {  	v53 =	vld [tilespmem:s18+$0x120]  }
0xe1: {  	v54 =	vld [tilespmem:s18+$0x130]  }
0xe2: {  	v55 =	vld [tilespmem:s18+$0x140]  }
0xe3: {  	v62 =	vld [tilespmem:s18+$0x150];
	v12 =	vadd.f32 v12, v51  }
0xe4: {  	v63 =	vld [tilespmem:s18+$0x160];
	v13 =	vadd.f32 v13, v52  }
0xe5: {  	[tilespmem:s18+$0x100] =	vst v12;
	v12 =	vadd.f32 v14, v53;
	v14 =	vld [tilespmem:s18+$0x170]  }
0xe6: {  	[tilespmem:s18+$0x110] =	vst v13;
	v13 =	vadd.f32 v15, v54;
	v15 =	vld [tilespmem:s18+$0x500]  }
0xe7: {  	[tilespmem:s18+$0x120] =	vst v12;
	v12 =	vadd.f32 v16, v55;
	v16 =	vld [tilespmem:s18+$0x510]  }
0xe8: {  	[tilespmem:s18+$0x130] =	vst v13;
	v13 =	vadd.f32 v17, v62;
	v17 =	vld [tilespmem:s18+$0x520]  }
0xe9: {  	v5 =	vld [tilespmem:s18+$0xD550]  }
0xea: {  	[tilespmem:s18+$0x140] =	vst v12;
	v12 =	vadd.f32 v18, v63;
	v18 =	vld [tilespmem:s18+$0x570]  }
0xeb: {  	[tilespmem:s18+$0x150] =	vst v13;
	v13 =	vadd.f32 v19, v14;
	v14 =	vld [tilespmem:s18+$0x530]  }
0xec: {  	[tilespmem:s18+$0x160] =	vst v12;
	v12 =	vadd.f32 v20, v15;
	v15 =	vld [tilespmem:s18+$0x540]  }
0xed: {  	[tilespmem:s18+$0x170] =	vst v13;
	v13 =	vadd.f32 v21, v16;
	v16 =	vadd.f32 v22, v17;
	v17 =	vld [tilespmem:s18+$0x560]  }
0xee: {  	[tilespmem:s18+$0x500] =	vst v12;
	v12 =	vld [tilespmem:s18+$0x550]  }
0xef: {  	[tilespmem:s18+$0x510] =	vst v13;
	v13 =	vld [tilespmem:s18+$0x900];
	v18 =	vadd.f32 v27, v18  }
0xf0: {  	[tilespmem:s18+$0x520] =	vst v16;
	v16 =	vld [tilespmem:s18+$0x910];
	v14 =	vadd.f32 v23, v14  }
0xf1: {  	v4 =	vld [tilespmem:s18+$0xD560];
	v15 =	vadd.f32 v24, v15;
	[tilespmem:s18+$0x570] =	vst v18  }
0xf2: {  	[tilespmem:s18+$0x530] =	vst v14;
	v14 =	vld [tilespmem:s18+$0x920];
	v17 =	vadd.f32 v26, v17  }
0xf3: {  	v12 =	vadd.f32 v25, v12;
	[tilespmem:s18+$0x540] =	vst v15;
	v15 =	vld [tilespmem:s18+$0x930]  }
0xf4: {  	v18 =	vld [tilespmem:s18+$0x970];
	[tilespmem:s18+$0x560] =	vst v17;
	v13 =	vadd.f32 v28, v13  }
0xf5: {  	v16 =	vadd.f32 v29, v16;
	[tilespmem:s18+$0x550] =	vst v12;
	v12 =	vld [tilespmem:s18+$0x940]  }
0xf6: {  	v17 =	vld [tilespmem:s18+$0x950];
	[tilespmem:s18+$0x900] =	vst v13  }
0xf7: {  	[tilespmem:s18+$0x910] =	vst v16;
	v16 =	vld [tilespmem:s18+$0x960];
	v13 =	vadd.f32 v30, v14  }
0xf8: {  	v14 =	vld [tilespmem:s18+$0xD00];
	v15 =	vadd.f32 v31, v15  }
0xf9: {  	[tilespmem:s18+$0x920] =	vst v13;
	v13 =	vld [tilespmem:s18+$0xD10]  }
0xfa: {  	v12 =	vadd.f32 v32, v12;
	[tilespmem:s18+$0x930] =	vst v15;
	v15 =	vld [tilespmem:s18+$0xD20]  }
0xfb: {  	v3 =	vld [tilespmem:s18+$0xD570];
	v17 =	vadd.f32 v33, v17  }
0xfc: {  	v16 =	vadd.f32 v34, v16;
	[tilespmem:s18+$0x940] =	vst v12;
	v12 =	vld [tilespmem:s18+$0xD30]  }
0xfd: {  	[tilespmem:s18+$0x950] =	vst v17;
	v17 =	vld [tilespmem:s18+$0xD40];
	v14 =	vadd.f32 v36, v14  }
0xfe: {  	v18 =	vadd.f32 v35, v18;
	[tilespmem:s18+$0x960] =	vst v16;
	v16 =	vld [tilespmem:s18+$0xD50]  }
0xff: {  	v13 =	vadd.f32 v37, v13;
	[tilespmem:s18+$0xD00] =	vst v14;
	v14 =	vadd.f32 v38, v15;
	v15 =	vld [tilespmem:s18+$0xD60]  }
0x100: {  	[tilespmem:s18+$0x970] =	vst v18;
	v18 =	vld [tilespmem:s18+$0xD70]  }
0x101: {  	[tilespmem:s18+$0xD10] =	vst v13;
	v13 =	vld [tilespmem:s18+$0x1100];
	v12 =	vadd.f32 v39, v12  }
0x102: {  	v17 =	vadd.f32 v40, v17;
	[tilespmem:s18+$0xD20] =	vst v14;
	v14 =	vld [tilespmem:s18+$0x1110]  }
0x103: {  	v16 =	vadd.f32 v41, v16;
	[tilespmem:s18+$0xD30] =	vst v12;
	v12 =	vld [tilespmem:s18+$0x1120]  }
0x104: {  	[tilespmem:s18+$0xD40] =	vst v17;
	v17 =	vld [tilespmem:s18+$0x1130];
	v15 =	vadd.f32 v42, v15  }
0x105: {  	v19 =	vld [tilespmem:s18+$0x1140];
	[tilespmem:s18+$0xD50] =	vst v16;
	v16 =	vadd.f32 v43, v18  }
0x106: {  	v18 =	vld [tilespmem:s18+$0x1150];
	v13 =	vadd.f32 v44, v13;
	[tilespmem:s18+$0xD60] =	vst v15  }
0x107: {  	v20 =	vld [tilespmem:s18+$0x1160];
	[tilespmem:s18+$0xD70] =	vst v16;
	v14 =	vadd.f32 v45, v14  }
0x108: {  	v16 =	vld [tilespmem:s18+$0x1170];
	[tilespmem:s18+$0x1100] =	vst v13;
	v12 =	vadd.f32 v46, v12  }
0x109: {  	v15 =	vld [tilespmem:s18+$0x1500];
	v13 =	vadd.f32 v47, v17;
	[tilespmem:s18+$0x1110] =	vst v14  }
0x10a: {  	v14 =	vld [tilespmem:s18+$0x1510];
	[tilespmem:s18+$0x1120] =	vst v12;
	v12 =	vadd.f32 v48, v19  }
0x10b: {  	[tilespmem:s18+$0x1130] =	vst v13;
	v13 =	vld [tilespmem:s18+$0x1520];
	v18 =	vadd.f32 v49, v18  }
0x10c: {  	s19 =	simm.s32 $0x1;
	s20 =	simm.s32 $0x0;
	v17 =	vadd.f32 v50, v20;
	[tilespmem:s18+$0x1140] =	vst v12;
	v12 =	vld [tilespmem:s18+$0x1530]  }
.LBB2_2:
0x10d: {  	s21 =	sshrl.u32 s19, $0x3;
	p0 =	sne.s32 s19, $0x3F;
	[tilespmem:s18+$0x1150] =	vst v18;
	v11 =	vadd.f32 v11, v16;
	v16 =	vld [tilespmem:s18+$0x1540]  }
0x10e: {  	s20 =	sadd.s32 $0x80, s20;
	s21 =	smul.u32 $0x1800, s21;
	[tilespmem:s18+$0x1160] =	vst v17;
	v10 =	vadd.f32 v10, v15;
	v15 =	vld [tilespmem:s18+$0x1550]  }
0x10f: {  	s22 =	sand.u32 $0x380, s20;
	[tilespmem:s18+$0x1170] =	vst v11;
	v9 =	vadd.f32 v9, v14;
	v11 =	vld [tilespmem:s18+$0x1560]  }
0x110: {  	s21 =	sor.u32 s22, s21;
	[tilespmem:s18+$0x1500] =	vst v10;
	v8 =	vadd.f32 v8, v13;
	v10 =	vld [tilespmem:s18+$0x1570]  }
0x111: {  	v39 =	vld [tilespmem:s21+$0xC100];
	[tilespmem:s18+$0x1510] =	vst v9;
	v7 =	vadd.f32 v7, v12  }
0x112: {  	v40 =	vld [tilespmem:s21+$0xC110];
	[tilespmem:s18+$0x1520] =	vst v8;
	v6 =	vadd.f32 v6, v16  }
0x113: {  	v41 =	vld [tilespmem:s21+$0xC120];
	[tilespmem:s18+$0x1530] =	vst v7;
	v5 =	vadd.f32 v5, v15  }
0x114: {  	v42 =	vld [tilespmem:s21+$0xC130];
	[tilespmem:s18+$0x1540] =	vst v6;
	v4 =	vadd.f32 v4, v11  }
0x115: {  	v43 =	vld [tilespmem:s21+$0xC140];
	[tilespmem:s18+$0x1550] =	vst v5;
	v3 =	vadd.f32 v3, v10  }
0x116: {  	v44 =	vld [tilespmem:s21+$0xC150];
	[tilespmem:s18+$0x1560] =	vst v4  }
0x117: {  	v45 =	vld [tilespmem:s21+$0xC160];
	[tilespmem:s18+$0x1570] =	vst v3;
	s18 =	smov.u32 s21  }
0x118: {  	v46 =	vld [tilespmem:s18+$0xC170]  }
0x119: {  	v47 =	vld [tilespmem:s18+$0xC500]  }
0x11a: {  	v48 =	vld [tilespmem:s18+$0xC510]  }
0x11b: {  	v49 =	vld [tilespmem:s18+$0xC520]  }
0x11c: {  	v50 =	vld [tilespmem:s18+$0xC530]  }
0x11d: {  	v38 =	vld [tilespmem:s18+$0xC540]  }
0x11e: {  	v37 =	vld [tilespmem:s18+$0xC550]  }
0x11f: {  	v36 =	vld [tilespmem:s18+$0xC560]  }
0x120: {  	v35 =	vld [tilespmem:s18+$0xC570]  }
0x121: {  	v34 =	vld [tilespmem:s18+$0xC900]  }
0x122: {  	v33 =	vld [tilespmem:s18+$0xC910]  }
0x123: {  	v32 =	vld [tilespmem:s18+$0xC920]  }
0x124: {  	v31 =	vld [tilespmem:s18+$0xC930]  }
0x125: {  	v30 =	vld [tilespmem:s18+$0xC940]  }
0x126: {  	v29 =	vld [tilespmem:s18+$0xC950]  }
0x127: {  	v28 =	vld [tilespmem:s18+$0xC960]  }
0x128: {  	v27 =	vld [tilespmem:s18+$0xC970]  }
0x129: {  	v26 =	vld [tilespmem:s18+$0xCD00]  }
0x12a: {  	v25 =	vld [tilespmem:s18+$0xCD10]  }
0x12b: {  	v24 =	vld [tilespmem:s18+$0xCD20]  }
0x12c: {  	v23 =	vld [tilespmem:s18+$0xCD30]  }
0x12d: {  	v22 =	vld [tilespmem:s18+$0xCD40]  }
0x12e: {  	v21 =	vld [tilespmem:s18+$0xCD50]  }
0x12f: {  	v20 =	vld [tilespmem:s18+$0xCD60]  }
0x130: {  	v19 =	vld [tilespmem:s18+$0xCD70]  }
0x131: {  	v18 =	vld [tilespmem:s18+$0xD100]  }
0x132: {  	v17 =	vld [tilespmem:s18+$0xD110]  }
0x133: {  	v16 =	vld [tilespmem:s18+$0xD120]  }
0x134: {  	v15 =	vld [tilespmem:s18+$0xD130]  }
0x135: {  	v14 =	vld [tilespmem:s18+$0xD140]  }
0x136: {  	v13 =	vld [tilespmem:s18+$0xD150]  }
0x137: {  	v12 =	vld [tilespmem:s18+$0xD160]  }
0x138: {  	v11 =	vld [tilespmem:s18+$0xD170]  }
0x139: {  	v10 =	vld [tilespmem:s18+$0xD500]  }
0x13a: {  	v9 =	vld [tilespmem:s18+$0xD510]  }
0x13b: {  	v8 =	vld [tilespmem:s18+$0xD520]  }
0x13c: {  	v7 =	vld [tilespmem:s18+$0xD530]  }
0x13d: {  	v6 =	vld [tilespmem:s18+$0xD540]  }
0x13e: {  	v5 =	vld [tilespmem:s18+$0xD550]  }
0x13f: {  	v4 =	vld [tilespmem:s18+$0xD560]  }
0x140: {  	v3 =	vld [tilespmem:s18+$0xD570]  }
0x141: {  	v51 =	vld [tilespmem:s18+$0x100]  }
0x142: {  	v52 =	vld [tilespmem:s18+$0x110]  }
0x143: {  	v53 =	vld [tilespmem:s18+$0x120]  }
0x144: {  	v54 =	vld [tilespmem:s18+$0x130]  }
0x145: {  	v55 =	vld [tilespmem:s18+$0x140]  }
0x146: {  	v39 =	vadd.f32 v39, v51;
	v51 =	vld [tilespmem:s18+$0x150]  }
0x147: {  	v40 =	vadd.f32 v40, v52;
	v52 =	vld [tilespmem:s18+$0x160]  }
0x148: {  	[tilespmem:s18+$0x100] =	vst v39;
	v39 =	vadd.f32 v41, v53;
	v41 =	vld [tilespmem:s18+$0x170]  }
0x149: {  	[tilespmem:s18+$0x110] =	vst v40;
	v40 =	vadd.f32 v42, v54;
	v42 =	vld [tilespmem:s18+$0x500]  }
0x14a: {  	[tilespmem:s18+$0x120] =	vst v39;
	v39 =	vadd.f32 v43, v55;
	v43 =	vld [tilespmem:s18+$0x510]  }
0x14b: {  	[tilespmem:s18+$0x130] =	vst v40;
	v40 =	vadd.f32 v44, v51;
	v44 =	vld [tilespmem:s18+$0x520]  }
0x14c: {  	[tilespmem:s18+$0x140] =	vst v39;
	v39 =	vadd.f32 v45, v52;
	v45 =	vld [tilespmem:s18+$0x530]  }
0x14d: {  	[tilespmem:s18+$0x150] =	vst v40;
	v40 =	vadd.f32 v46, v41;
	v41 =	vld [tilespmem:s18+$0x540]  }
0x14e: {  	[tilespmem:s18+$0x160] =	vst v39;
	v39 =	vadd.f32 v47, v42;
	v42 =	vld [tilespmem:s18+$0x550]  }
0x14f: {  	[tilespmem:s18+$0x170] =	vst v40;
	v40 =	vadd.f32 v48, v43;
	v43 =	vld [tilespmem:s18+$0x560]  }
0x150: {  	[tilespmem:s18+$0x500] =	vst v39;
	v39 =	vadd.f32 v49, v44;
	v44 =	vld [tilespmem:s18+$0x570]  }
0x151: {  	[tilespmem:s18+$0x510] =	vst v40;
	v40 =	vadd.f32 v50, v45;
	v45 =	vld [tilespmem:s18+$0x900]  }
0x152: {  	[tilespmem:s18+$0x520] =	vst v39;
	v38 =	vadd.f32 v38, v41;
	v39 =	vld [tilespmem:s18+$0x910]  }
0x153: {  	[tilespmem:s18+$0x530] =	vst v40;
	v37 =	vadd.f32 v37, v42;
	v40 =	vld [tilespmem:s18+$0x920]  }
0x154: {  	[tilespmem:s18+$0x540] =	vst v38;
	v36 =	vadd.f32 v36, v43;
	v38 =	vld [tilespmem:s18+$0x930]  }
0x155: {  	[tilespmem:s18+$0x550] =	vst v37;
	v35 =	vadd.f32 v35, v44;
	v37 =	vld [tilespmem:s18+$0x940]  }
0x156: {  	[tilespmem:s18+$0x560] =	vst v36;
	v34 =	vadd.f32 v34, v45;
	v36 =	vld [tilespmem:s18+$0x950]  }
0x157: {  	[tilespmem:s18+$0x570] =	vst v35;
	v33 =	vadd.f32 v33, v39;
	v35 =	vld [tilespmem:s18+$0x960]  }
0x158: {  	[tilespmem:s18+$0x900] =	vst v34;
	v32 =	vadd.f32 v32, v40;
	v34 =	vld [tilespmem:s18+$0x970]  }
0x159: {  	[tilespmem:s18+$0x910] =	vst v33;
	v31 =	vadd.f32 v31, v38;
	v33 =	vld [tilespmem:s18+$0xD00]  }
0x15a: {  	[tilespmem:s18+$0x920] =	vst v32;
	v30 =	vadd.f32 v30, v37;
	v32 =	vld [tilespmem:s18+$0xD10]  }
0x15b: {  	[tilespmem:s18+$0x930] =	vst v31;
	v29 =	vadd.f32 v29, v36;
	v31 =	vld [tilespmem:s18+$0xD20]  }
0x15c: {  	[tilespmem:s18+$0x940] =	vst v30;
	v28 =	vadd.f32 v28, v35;
	v30 =	vld [tilespmem:s18+$0xD30]  }
0x15d: {  	[tilespmem:s18+$0x950] =	vst v29;
	v27 =	vadd.f32 v27, v34;
	v29 =	vld [tilespmem:s18+$0xD40]  }
0x15e: {  	[tilespmem:s18+$0x960] =	vst v28;
	v26 =	vadd.f32 v26, v33;
	v28 =	vld [tilespmem:s18+$0xD50]  }
0x15f: {  	[tilespmem:s18+$0x970] =	vst v27;
	v25 =	vadd.f32 v25, v32;
	v27 =	vld [tilespmem:s18+$0xD60]  }
0x160: {  	[tilespmem:s18+$0xD00] =	vst v26;
	v24 =	vadd.f32 v24, v31;
	v26 =	vld [tilespmem:s18+$0xD70]  }
0x161: {  	[tilespmem:s18+$0xD10] =	vst v25;
	v23 =	vadd.f32 v23, v30;
	v25 =	vld [tilespmem:s18+$0x1100]  }
0x162: {  	[tilespmem:s18+$0xD20] =	vst v24;
	v22 =	vadd.f32 v22, v29;
	v24 =	vld [tilespmem:s18+$0x1110]  }
0x163: {  	[tilespmem:s18+$0xD30] =	vst v23;
	v21 =	vadd.f32 v21, v28;
	v23 =	vld [tilespmem:s18+$0x1120]  }
0x164: {  	[tilespmem:s18+$0xD40] =	vst v22;
	v20 =	vadd.f32 v20, v27;
	v22 =	vld [tilespmem:s18+$0x1130]  }
0x165: {  	[tilespmem:s18+$0xD50] =	vst v21;
	v19 =	vadd.f32 v19, v26;
	v21 =	vld [tilespmem:s18+$0x1140]  }
0x166: {  	[tilespmem:s18+$0xD60] =	vst v20;
	v18 =	vadd.f32 v18, v25;
	v20 =	vld [tilespmem:s18+$0x1150]  }
0x167: {  	[tilespmem:s18+$0xD70] =	vst v19;
	v17 =	vadd.f32 v17, v24;
	v19 =	vld [tilespmem:s18+$0x1160]  }
.Ltmp0:
0x168: {  	[tilespmem:s18+$0x1100] =	vst v18;
	v18 =	vadd.f32 v16, v23;
	v16 =	vld [tilespmem:s18+$0x1170];
	(pc) =	sbr.rel @p0 .LBB2_2-.Ltmp0, $4  }
0x169: {  	[tilespmem:s18+$0x1110] =	vst v17;
	v17 =	vadd.f32 v15, v22;
	v15 =	vld [tilespmem:s18+$0x1500]  }
0x16a: {  	[tilespmem:s18+$0x1120] =	vst v18;
	v21 =	vadd.f32 v14, v21;
	v14 =	vld [tilespmem:s18+$0x1510]  }
0x16b: {  	[tilespmem:s18+$0x1130] =	vst v17;
	v18 =	vadd.f32 v13, v20;
	v13 =	vld [tilespmem:s18+$0x1520]  }
0x16c: {  	s19 =	sadd.s32 $0x1, s19;
	[tilespmem:s18+$0x1140] =	vst v21;
	v17 =	vadd.f32 v12, v19;
	v12 =	vld [tilespmem:s18+$0x1530]  }
0x16d: {  	[tilespmem:s18+$0x1150] =	vst v18;
	v60 =	vld [tilespmem:s18+$0x1540];
	v11 =	vadd.f32 v11, v16  }
0x16e: {  	v61 =	vld [tilespmem:s18+$0x1550];
	[tilespmem:s18+$0x1160] =	vst v17;
	v10 =	vadd.f32 v10, v15  }
0x16f: {  	v62 =	vld [tilespmem:s18+$0x1560];
	[tilespmem:s18+$0x1170] =	vst v11;
	v9 =	vadd.f32 v9, v14  }
0x170: {  	v63 =	vld [tilespmem:s18+$0x1570];
	[tilespmem:s18+$0x1500] =	vst v10;
	v8 =	vadd.f32 v8, v13  }
0x171: {  	[tilespmem:s18+$0x1510] =	vst v9;
	v7 =	vadd.f32 v7, v12  }
0x172: {  	[tilespmem:s18+$0x1520] =	vst v8;
	v6 =	vadd.f32 v6, v60  }
0x173: {  	v5 =	vadd.f32 v5, v61;
	[tilespmem:s18+$0x1530] =	vst v7  }
0x174: {  	v4 =	vadd.f32 v4, v62;
	[tilespmem:s18+$0x1540] =	vst v6  }
0x175: {  	s17 =	sadd.s32 $0x1, s17;
	v3 =	vadd.f32 v3, v63;
	[tilespmem:s18+$0x1550] =	vst v5  }
0x176: {  	p0 =	sne.s32 s17, s8;
	[tilespmem:s18+$0x1560] =	vst v4  }
.Ltmp1:
0x177: {  	[tilespmem:s18+$0x1570] =	vst v3;
	(pc) =	sbr.rel @p0 .LBB2_1-.Ltmp1, $4  }
0x178: {  	[hbm4b:s7+s2] =	stream.linear.scatter [tilespmem:s10], [sflag:$0x3], $0xC000, $0x38;
	[tilespmem:$0x18100] =	vst v63  }
0x179: {  	_ =	swait.ge [sflag:s16], $0xC000  }
0x17a: {  	[sflag:s16] =	ssyncset.done $0x0  }
0x17b: {  	[sflag:s16] =	ssyncadd.s32 $0xFFFF4000  }
0x17c: {  	_ =	sfence.sel $0x180000  }
0x17d: {  	[bflag:$0x0] =	sbarrier.arrive $0xFFFF  }
0x17e: {  	_ =	strace $0x9000004A  }
0x17f: {  	s0 =	stileid.u32;
	[bflag:$0x2] =	sbarrier.arrive $0xFFFF  }
0x180: {  	p0 =	sne.s32 s0, $0x0;
	s0 =	rddreg [dreg:$0x2]  }
0x181: {  	s0 =	sadd.s32 @!p0 $0x100000, s0  }
0x182: {  	[sflag:s0] =	ssyncadd.tile.s32 @!p0 $0x1;
	_ =	shalt  }
.Lfunc_end2:
_tile_overlayer_lowered:
.L_overlay_start_2:
0x183: {  	(tag) =	ssettag $0x2  }
0x184: {  	s0 =	rddreg [dreg:$0x0];
	s2 =	stileid.u32  }
0x185: {  	s1 =	rddreg [dreg:$0x1];
	p0 =	sne.s32 s2, $0x0  }
0x186: {  	s3 =	rddreg [dreg:$0x2];
	[bflag:$0x3] =	sbarrier.arrive $0xFFFF;
	s2 =	simm.s32 @!p0 $0x1C04  }
0x187: {  	[timem:s3], [sflag:s2] =	dma.local @!p0 [hbm:s0], s1  }
0x188: {  	s0 =	simm.s32 @!p0 $0x4  }
0x189: {  	_ =	swait.ge @!p0 [sflag:s0], s1  }
0x18a: {  	s1 =	ssub.s32 @!p0 $0x0, s1;
	[sflag:s0] =	ssyncset.done @!p0 $0x0  }
0x18b: {  	[sflag:s0] =	ssyncadd.s32 @!p0 s1  }
0x18c: {  	[bflag:$0x3] =	sbarrier.arrive $0xFFFF  }
0x18d: {  	_ =	shalt  }

</sc_bundles>
